<compile_context>
chip_gen: v7x
topology: tpu7x:2x2x1
jax: 0.10.2.dev20260603
libtpu: 0.0.44.dev20260713+nightly
codegen_flags: <defaults>
</compile_context>

<pallas_src>
import functools

import jax
import jax.numpy as jnp
from jax import lax
from jax.experimental import pallas as pl
from jax.experimental.pallas import tpu as pltpu
from jax.experimental.pallas import tpu_sc as plsc

LANES = 16
NSC = 2
NTILE = 16
CH = 1024


def _xproj_body(x_ref, w_ref, o_ref):
    o_ref[...] = jnp.dot(x_ref[...], w_ref[...],
                         preferred_element_type=jnp.float32)


def _sc_body(ns, xp, rs_h, vs_h, c_h, zz, out,
             h_local, acc, y, rs_v, vs_v, c_v, cstate, hnew,
             gates_sh, h_sh):
    N, GATE, T, NCH = ns
    CPT = GATE // NTILE
    NPT = N // NTILE
    bh = lax.axis_index("c")
    w = lax.axis_index("s")

    pltpu.sync_copy(zz, h_local)
    pltpu.sync_copy(zz.at[pl.ds(0, NPT)], cstate)

    def step(t, _):
        pltpu.sync_copy(xp.at[bh, t, pl.ds(w * CPT, CPT)],
                        gates_sh.at[pl.ds(w * CPT, CPT)])
        plsc.subcore_barrier()

        @pl.when(t > 0)
        def _spmm():
            def chunk(k, _):
                pltpu.sync_copy(rs_h.at[w, k], rs_v)
                pltpu.sync_copy(vs_h.at[w, k], vs_v)
                pltpu.sync_copy(c_h.at[w, k], c_v)

                def blk(jb, _):
                    base = jb * LANES
                    rv = rs_v[pl.ds(base, LANES)]
                    vv = vs_v[pl.ds(base, LANES)]
                    for e in range(LANES):
                        y[base + e] = h_local[rv[e]] * vv[e]
                    return 0
                lax.fori_loop(0, CH // LANES, blk, 0)
                pltpu.sync_copy(y, gates_sh.at[c_v], add=True)
                return 0
            lax.fori_loop(0, NCH, chunk, 0)

        plsc.subcore_barrier()
        pltpu.sync_copy(gates_sh.at[pl.ds(w * CPT, CPT)], acc)

        def pw(nn, _):
            ig = acc[nn]
            fg = acc[NPT + nn]
            gg = acc[2 * NPT + nn]
            og = acc[3 * NPT + nn]
            c0 = cstate[nn]
            si = 1.0 / (1.0 + jnp.exp(-ig))
            sf = 1.0 / (1.0 + jnp.exp(-fg))
            so = 1.0 / (1.0 + jnp.exp(-og))
            tg = 2.0 / (1.0 + jnp.exp(-2.0 * gg)) - 1.0
            cn = sf * c0 + si * tg
            tcn = 2.0 / (1.0 + jnp.exp(-2.0 * cn)) - 1.0
            cstate[nn] = cn
            hnew[nn] = so * tcn
            return 0
        lax.fori_loop(0, NPT, pw, 0)

        pltpu.sync_copy(hnew, h_sh.at[pl.ds(w * NPT, NPT)])
        pltpu.sync_copy(hnew, out.at[bh, t, pl.ds(w * NPT, NPT)])
        plsc.subcore_barrier()
        pltpu.sync_copy(h_sh, h_local)
        plsc.subcore_barrier()
        return 0

    lax.fori_loop(0, T, step, 0)


def kernel(inputs, W_in, rows, cols, vals, bias):
    B, T, DIN = inputs.shape
    GATE = W_in.shape[1]
    N = GATE // 4
    NNZ = rows.shape[0]
    BT = B * T
    NBLK = 2048
    CPT = GATE // NTILE
    NPT = N // NTILE

    per_tile = -(-NNZ // (NTILE * CH)) * CH
    NCH = per_tile // CH
    CAP = NTILE * per_tile

    cp = ((cols >> 8) & (NTILE - 1)) * CPT + (cols >> 12) * NPT + (cols & (NPT - 1))
    g2 = jnp.arange(GATE, dtype=jnp.int32)
    src_col = (g2 & 1023) // NPT * N + (g2 >> 10) * NPT + (g2 & (NPT - 1))
    W_p = W_in[:, src_col]
    bias_p = bias[src_col]

    pad = CAP - NNZ
    rs_p = jnp.concatenate([rows, jnp.zeros((pad,), jnp.int32)])
    vs_p = jnp.concatenate([vals, jnp.zeros((pad,), jnp.float32)])
    cp_p = jnp.concatenate([cp, jnp.zeros((pad,), jnp.int32)])
    rs_h = rs_p.reshape(NTILE, NCH, CH)
    vs_h = vs_p.reshape(NTILE, NCH, CH)
    c_h = cp_p.reshape(NTILE, NCH, CH)

    x2 = inputs.reshape(BT, DIN)
    xproj = pl.pallas_call(
        _xproj_body,
        grid=(GATE // NBLK,),
        in_specs=[
            pl.BlockSpec((BT, DIN), lambda j: (0, 0)),
            pl.BlockSpec((DIN, NBLK), lambda j: (0, j)),
        ],
        out_specs=pl.BlockSpec((BT, NBLK), lambda j: (0, j)),
        out_shape=jax.ShapeDtypeStruct((BT, GATE), jnp.float32),
    )(x2, W_p)
    xproj = xproj + bias_p
    xp = xproj.reshape(NSC, LANES, T, GATE).transpose(0, 2, 3, 1)

    zz = jnp.zeros((N, LANES), jnp.float32)

    mesh = plsc.VectorSubcoreMesh(core_axis_name="c", subcore_axis_name="s")
    sc = pl.kernel(
        functools.partial(_sc_body, (N, GATE, T, NCH)),
        out_type=jax.ShapeDtypeStruct((NSC, T, N, LANES), jnp.float32),
        mesh=mesh,
        compiler_params=pltpu.CompilerParams(use_tc_tiling_on_sc=False),
        scratch_types=[
            pltpu.VMEM((N, LANES), jnp.float32),
            pltpu.VMEM((CPT, LANES), jnp.float32),
            pltpu.VMEM((CH, LANES), jnp.float32),
            pltpu.VMEM((CH,), jnp.int32),
            pltpu.VMEM((CH,), jnp.float32),
            pltpu.VMEM((CH,), jnp.int32),
            pltpu.VMEM((NPT, LANES), jnp.float32),
            pltpu.VMEM((NPT, LANES), jnp.float32),
            pltpu.VMEM_SHARED((GATE, LANES), jnp.float32),
            pltpu.VMEM_SHARED((N, LANES), jnp.float32),
        ],
    )
    out = sc(xp, rs_h, vs_h, c_h, zz)
    return out.transpose(0, 3, 1, 2).reshape(B, T, N)

# --- scband reference (transcript-rebuilt; emitter-appended) ---
"""Pipeline reference for scband-lstmsparse-reservoir-1245540516183 (READ-ONLY COPY).

The authoritative reference and input builder live on the scoring server;
editing this copy changes nothing except your own understanding.
"""

import jax, jax.numpy as jnp
import numpy as np

N = 4096
GATE = 4 * N
NNZ = 671088
DIN = 256
B = 32
T = 16

def setup_inputs(seed: int = 0) -> dict:
    key = jax.random.key(seed)
    k1, k2, k3, k4, k5 = jax.random.split(key, 5)
    inputs = jax.random.normal(k1, (B, T, DIN), dtype=jnp.float32)
    W_in = jax.random.normal(k2, (DIN, GATE), dtype=jnp.float32) * 0.02
    rows = jax.random.randint(k3, (NNZ,), 0, N, dtype=jnp.int32)
    cols = jax.random.randint(k4, (NNZ,), 0, GATE, dtype=jnp.int32)
    vals = jax.random.normal(k5, (NNZ,), dtype=jnp.float32) * np.float32(1.0 / np.sqrt(N * 0.01))
    bias = jnp.zeros((GATE,), dtype=jnp.float32)
    return {"inputs": inputs, "W_in": W_in, "rows": rows, "cols": cols, "vals": vals, "bias": bias}

def _spmm(h, rows, cols, vals):
    # sparse recurrent matmul: h [B, N] x sparse kernel [N, GATE] (COO rows/cols/vals)
    gathered = h[:, rows] * vals  # gather (SparseCore-friendly)
    return jnp.zeros((h.shape[0], GATE), dtype=h.dtype).at[:, cols].add(gathered)  # scatter-add

def reference(inputs, W_in, rows, cols, vals, bias):
    # LSTM whose recurrent kernel is a fixed sparse reservoir (tf.sparse.sparse_dense_matmul analog)
    xproj = jnp.einsum('btd,dg->btg', inputs, W_in) + bias  # precomputed input projection + bias

    def step(carry, xt):
        h, c = carry
        gates = xt + _spmm(h, rows, cols, vals)
        i, f, g, o = jnp.split(gates, 4, axis=-1)
        c_new = jax.nn.sigmoid(f) * c + jax.nn.sigmoid(i) * jnp.tanh(g)
        h_new = jax.nn.sigmoid(o) * jnp.tanh(c_new)
        return (h_new, c_new), h_new

    h0 = jnp.zeros((B, N), dtype=jnp.float32)
    c0 = jnp.zeros((B, N), dtype=jnp.float32)
    (_, _), hs = jax.lax.scan(step, (h0, c0), jnp.swapaxes(xproj, 0, 1))
    return jnp.swapaxes(hs, 0, 1)  # [B, T, N]

if __name__ == "__main__":
    import jax
    _d = setup_inputs()
    print(jax.jit(kernel)(*tuple(_d.values())))

</pallas_src>

<mosaic_0001>
#map = affine_map<(d0, d1) -> (0, 0, 0, 0)>
#map1 = affine_map<(d0, d1) -> (0, 0, 0)>
#map2 = affine_map<(d0, d1) -> (0, 0)>
module attributes {stable_mosaic.version = 14 : i64} {
  func.func @_sc_body(%arg0: i32, %arg1: i32, %arg2: memref<2x16x16384x16xf32, #tpu.memory_space<hbm>>, %arg3: memref<16x41x1024xi32, #tpu.memory_space<hbm>>, %arg4: memref<16x41x1024xf32, #tpu.memory_space<hbm>>, %arg5: memref<16x41x1024xi32, #tpu.memory_space<hbm>>, %arg6: memref<4096x16xf32, #tpu.memory_space<hbm>>, %arg7: memref<2x16x4096x16xf32, #tpu.memory_space<hbm>>, %arg8: memref<4096x16xf32, #tpu.memory_space<vmem>>, %arg9: memref<1024x16xf32, #tpu.memory_space<vmem>>, %arg10: memref<1024x16xf32, #tpu.memory_space<vmem>>, %arg11: memref<1024xi32, #tpu.memory_space<vmem>>, %arg12: memref<1024xf32, #tpu.memory_space<vmem>>, %arg13: memref<1024xi32, #tpu.memory_space<vmem>>, %arg14: memref<256x16xf32, #tpu.memory_space<vmem>>, %arg15: memref<256x16xf32, #tpu.memory_space<vmem>>, %arg16: memref<16384x16xf32, #tpu.memory_space<vmem_shared>>, %arg17: memref<4096x16xf32, #tpu.memory_space<vmem_shared>>) attributes {dimension_semantics = [#tpu.dimension_semantics<core_parallel>, #tpu.dimension_semantics<subcore_parallel>], iteration_bounds = array<i64: 2, 16>, scalar_prefetch = 0 : i64, scratch_operands = 10 : i64, tpu.core_type = #tpu.core_type<sc_vector_subcore>, window_params = [{transform_indices = #map}, {transform_indices = #map1}, {transform_indices = #map1}, {transform_indices = #map1}, {transform_indices = #map2}, {transform_indices = #map}]} {
    "tpu.region"() ({
      %run_scoped3A = tpu.sem_alloc : memref<!tpu.dma_semaphore, #tpu.memory_space<semaphore_mem>>
      tpu.enqueue_dma source(%arg6 : memref<4096x16xf32, #tpu.memory_space<hbm>>) target(%arg8 : memref<4096x16xf32, #tpu.memory_space<vmem>>) target_semaphore(%run_scoped3A : memref<!tpu.dma_semaphore, #tpu.memory_space<semaphore_mem>>)
      tpu.wait_dma2 semaphore(%run_scoped3A : memref<!tpu.dma_semaphore, #tpu.memory_space<semaphore_mem>>) src(%arg6 : memref<4096x16xf32, #tpu.memory_space<hbm>>) dst(%arg8 : memref<4096x16xf32, #tpu.memory_space<vmem>>)
      tpu.yield
    }) : () -> ()
    "tpu.region"() ({
      %run_scoped3A = tpu.sem_alloc : memref<!tpu.dma_semaphore, #tpu.memory_space<semaphore_mem>>
      %dma_start3A = arith.constant 0 : i32
      %dma_start3A_6 = arith.constant 0 : i32
      %dma_start3A_7 = tpu.memref_slice %arg6[%dma_start3A, %dma_start3A_6] : memref<4096x16xf32, #tpu.memory_space<hbm>> -> memref<256x16xf32, #tpu.memory_space<hbm>>
      %dma_start3A_8 = arith.constant 0 : i32
      %dma_start3A_9 = arith.constant 0 : i32
      %dma_start3A_10 = tpu.memref_slice %arg6[%dma_start3A_8, %dma_start3A_9] : memref<4096x16xf32, #tpu.memory_space<hbm>> -> memref<256x16xf32, #tpu.memory_space<hbm>>
      tpu.enqueue_dma source(%dma_start3A_10 : memref<256x16xf32, #tpu.memory_space<hbm>>) target(%arg14 : memref<256x16xf32, #tpu.memory_space<vmem>>) target_semaphore(%run_scoped3A : memref<!tpu.dma_semaphore, #tpu.memory_space<semaphore_mem>>)
      %dma_wait3A = arith.constant 0 : i32
      %dma_wait3A_11 = arith.constant 0 : i32
      %dma_wait3A_12 = tpu.memref_slice %arg6[%dma_wait3A, %dma_wait3A_11] : memref<4096x16xf32, #tpu.memory_space<hbm>> -> memref<256x16xf32, #tpu.memory_space<hbm>>
      %dma_wait3A_13 = arith.constant 0 : i32
      %dma_wait3A_14 = arith.constant 0 : i32
      %dma_wait3A_15 = tpu.memref_slice %arg6[%dma_wait3A_13, %dma_wait3A_14] : memref<4096x16xf32, #tpu.memory_space<hbm>> -> memref<256x16xf32, #tpu.memory_space<hbm>>
      tpu.wait_dma2 semaphore(%run_scoped3A : memref<!tpu.dma_semaphore, #tpu.memory_space<semaphore_mem>>) src(%dma_wait3A_15 : memref<256x16xf32, #tpu.memory_space<hbm>>) dst(%arg14 : memref<256x16xf32, #tpu.memory_space<vmem>>)
      tpu.yield
    }) : () -> ()
    %scan3A = arith.constant 0 : i32
    %scan3A_0 = arith.constant 0 : i32
    %scan3A_1 = arith.constant 16 : i32
    %scan3A_2 = arith.addi %scan3A_0, %scan3A_1 : i32
    %scan3A_3 = arith.constant 1 : i32
    %scan3A_4 = scf.for %scan3A_6 = %scan3A_0 to %scan3A_2 step %scan3A_3 iter_args(%scan3A_7 = %scan3A) -> (i32)  : i32 {
      %mul3A = arith.constant 1024 : i32
      %mul3A_8 = arith.muli %arg1, %mul3A : i32
      %mul3A_9 = arith.constant 1024 : i32
      %mul3A_10 = arith.muli %arg1, %mul3A_9 : i32
      "tpu.region"() ({
        %run_scoped3A = tpu.sem_alloc : memref<!tpu.dma_semaphore, #tpu.memory_space<semaphore_mem>>
        %dma_start3A = arith.constant 0 : i32
        %dma_start3A_30 = tpu.memref_slice %arg16[%mul3A_10, %dma_start3A] : memref<16384x16xf32, #tpu.memory_space<vmem_shared>> -> memref<1024x16xf32, #tpu.memory_space<vmem_shared>>
        %dma_start3A_31 = arith.constant 0 : i32
        %dma_start3A_32 = tpu.memref_slice %arg2[%arg0, %scan3A_6, %mul3A_8, %dma_start3A_31] : memref<2x16x16384x16xf32, #tpu.memory_space<hbm>> -> memref<1x1x1024x16xf32, #tpu.memory_space<hbm>>
        %dma_start3A_33 = tpu.memref_squeeze %dma_start3A_32 : memref<1x1x1024x16xf32, #tpu.memory_space<hbm>> -> memref<1024x16xf32, #tpu.memory_space<hbm>>
        tpu.enqueue_dma source(%dma_start3A_33 : memref<1024x16xf32, #tpu.memory_space<hbm>>) target(%dma_start3A_30 : memref<1024x16xf32, #tpu.memory_space<vmem_shared>>) target_semaphore(%run_scoped3A : memref<!tpu.dma_semaphore, #tpu.memory_space<semaphore_mem>>)
        %dma_wait3A = arith.constant 0 : i32
        %dma_wait3A_34 = tpu.memref_slice %arg16[%mul3A_10, %dma_wait3A] : memref<16384x16xf32, #tpu.memory_space<vmem_shared>> -> memref<1024x16xf32, #tpu.memory_space<vmem_shared>>
        %dma_wait3A_35 = arith.constant 0 : i32
        %dma_wait3A_36 = tpu.memref_slice %arg2[%arg0, %scan3A_6, %mul3A_8, %dma_wait3A_35] : memref<2x16x16384x16xf32, #tpu.memory_space<hbm>> -> memref<1x1x1024x16xf32, #tpu.memory_space<hbm>>
        %dma_wait3A_37 = tpu.memref_squeeze %dma_wait3A_36 : memref<1x1x1024x16xf32, #tpu.memory_space<hbm>> -> memref<1024x16xf32, #tpu.memory_space<hbm>>
        tpu.wait_dma2 semaphore(%run_scoped3A : memref<!tpu.dma_semaphore, #tpu.memory_space<semaphore_mem>>) src(%dma_wait3A_37 : memref<1024x16xf32, #tpu.memory_space<hbm>>) dst(%dma_wait3A_34 : memref<1024x16xf32, #tpu.memory_space<vmem_shared>>)
        tpu.yield
      }) : () -> ()
      %barrier3A = arith.constant 0 : index
      tpu.barrier barrier_id(%barrier3A)
      %gt3A = arith.constant 0 : i32
      %gt3A_11 = arith.cmpi sgt, %scan3A_6, %gt3A : i32
      %convert_element_type3A = arith.extui %gt3A_11 : i1 to i32
      %cond3A = arith.constant 0 : i32
      %cond3A_12 = arith.cmpi ne, %convert_element_type3A, %cond3A : i32
      scf.if %cond3A_12 {
        %scan3A_30 = arith.constant 0 : i32
        %scan3A_31 = arith.constant 0 : i32
        %scan3A_32 = arith.constant 41 : i32
        %scan3A_33 = arith.addi %scan3A_31, %scan3A_32 : i32
        %scan3A_34 = arith.constant 1 : i32
        %scan3A_35 = scf.for %scan3A_37 = %scan3A_31 to %scan3A_33 step %scan3A_34 iter_args(%scan3A_38 = %scan3A_30) -> (i32)  : i32 {
          "tpu.region"() ({
            %run_scoped3A = tpu.sem_alloc : memref<!tpu.dma_semaphore, #tpu.memory_space<semaphore_mem>>
            %dma_start3A = arith.constant 0 : i32
            %dma_start3A_47 = tpu.memref_slice %arg3[%arg1, %scan3A_37, %dma_start3A] : memref<16x41x1024xi32, #tpu.memory_space<hbm>> -> memref<1x1x1024xi32, #tpu.memory_space<hbm>>
            %dma_start3A_48 = tpu.memref_squeeze %dma_start3A_47 : memref<1x1x1024xi32, #tpu.memory_space<hbm>> -> memref<1024xi32, #tpu.memory_space<hbm>>
            %dma_start3A_49 = arith.constant 0 : i32
            %dma_start3A_50 = tpu.memref_slice %arg3[%arg1, %scan3A_37, %dma_start3A_49] : memref<16x41x1024xi32, #tpu.memory_space<hbm>> -> memref<1x1x1024xi32, #tpu.memory_space<hbm>>
            %dma_start3A_51 = tpu.memref_squeeze %dma_start3A_50 : memref<1x1x1024xi32, #tpu.memory_space<hbm>> -> memref<1024xi32, #tpu.memory_space<hbm>>
            tpu.enqueue_dma source(%dma_start3A_51 : memref<1024xi32, #tpu.memory_space<hbm>>) target(%arg11 : memref<1024xi32, #tpu.memory_space<vmem>>) target_semaphore(%run_scoped3A : memref<!tpu.dma_semaphore, #tpu.memory_space<semaphore_mem>>)
            %dma_wait3A = arith.constant 0 : i32
            %dma_wait3A_52 = tpu.memref_slice %arg3[%arg1, %scan3A_37, %dma_wait3A] : memref<16x41x1024xi32, #tpu.memory_space<hbm>> -> memref<1x1x1024xi32, #tpu.memory_space<hbm>>
            %dma_wait3A_53 = tpu.memref_squeeze %dma_wait3A_52 : memref<1x1x1024xi32, #tpu.memory_space<hbm>> -> memref<1024xi32, #tpu.memory_space<hbm>>
            %dma_wait3A_54 = arith.constant 0 : i32
            %dma_wait3A_55 = tpu.memref_slice %arg3[%arg1, %scan3A_37, %dma_wait3A_54] : memref<16x41x1024xi32, #tpu.memory_space<hbm>> -> memref<1x1x1024xi32, #tpu.memory_space<hbm>>
            %dma_wait3A_56 = tpu.memref_squeeze %dma_wait3A_55 : memref<1x1x1024xi32, #tpu.memory_space<hbm>> -> memref<1024xi32, #tpu.memory_space<hbm>>
            tpu.wait_dma2 semaphore(%run_scoped3A : memref<!tpu.dma_semaphore, #tpu.memory_space<semaphore_mem>>) src(%dma_wait3A_56 : memref<1024xi32, #tpu.memory_space<hbm>>) dst(%arg11 : memref<1024xi32, #tpu.memory_space<vmem>>)
            tpu.yield
          }) : () -> ()
          "tpu.region"() ({
            %run_scoped3A = tpu.sem_alloc : memref<!tpu.dma_semaphore, #tpu.memory_space<semaphore_mem>>
            %dma_start3A = arith.constant 0 : i32
            %dma_start3A_47 = tpu.memref_slice %arg4[%arg1, %scan3A_37, %dma_start3A] : memref<16x41x1024xf32, #tpu.memory_space<hbm>> -> memref<1x1x1024xf32, #tpu.memory_space<hbm>>
            %dma_start3A_48 = tpu.memref_squeeze %dma_start3A_47 : memref<1x1x1024xf32, #tpu.memory_space<hbm>> -> memref<1024xf32, #tpu.memory_space<hbm>>
            %dma_start3A_49 = arith.constant 0 : i32
            %dma_start3A_50 = tpu.memref_slice %arg4[%arg1, %scan3A_37, %dma_start3A_49] : memref<16x41x1024xf32, #tpu.memory_space<hbm>> -> memref<1x1x1024xf32, #tpu.memory_space<hbm>>
            %dma_start3A_51 = tpu.memref_squeeze %dma_start3A_50 : memref<1x1x1024xf32, #tpu.memory_space<hbm>> -> memref<1024xf32, #tpu.memory_space<hbm>>
            tpu.enqueue_dma source(%dma_start3A_51 : memref<1024xf32, #tpu.memory_space<hbm>>) target(%arg12 : memref<1024xf32, #tpu.memory_space<vmem>>) target_semaphore(%run_scoped3A : memref<!tpu.dma_semaphore, #tpu.memory_space<semaphore_mem>>)
            %dma_wait3A = arith.constant 0 : i32
            %dma_wait3A_52 = tpu.memref_slice %arg4[%arg1, %scan3A_37, %dma_wait3A] : memref<16x41x1024xf32, #tpu.memory_space<hbm>> -> memref<1x1x1024xf32, #tpu.memory_space<hbm>>
            %dma_wait3A_53 = tpu.memref_squeeze %dma_wait3A_52 : memref<1x1x1024xf32, #tpu.memory_space<hbm>> -> memref<1024xf32, #tpu.memory_space<hbm>>
            %dma_wait3A_54 = arith.constant 0 : i32
            %dma_wait3A_55 = tpu.memref_slice %arg4[%arg1, %scan3A_37, %dma_wait3A_54] : memref<16x41x1024xf32, #tpu.memory_space<hbm>> -> memref<1x1x1024xf32, #tpu.memory_space<hbm>>
            %dma_wait3A_56 = tpu.memref_squeeze %dma_wait3A_55 : memref<1x1x1024xf32, #tpu.memory_space<hbm>> -> memref<1024xf32, #tpu.memory_space<hbm>>
            tpu.wait_dma2 semaphore(%run_scoped3A : memref<!tpu.dma_semaphore, #tpu.memory_space<semaphore_mem>>) src(%dma_wait3A_56 : memref<1024xf32, #tpu.memory_space<hbm>>) dst(%arg12 : memref<1024xf32, #tpu.memory_space<vmem>>)
            tpu.yield
          }) : () -> ()
          "tpu.region"() ({
            %run_scoped3A = tpu.sem_alloc : memref<!tpu.dma_semaphore, #tpu.memory_space<semaphore_mem>>
            %dma_start3A = arith.constant 0 : i32
            %dma_start3A_47 = tpu.memref_slice %arg5[%arg1, %scan3A_37, %dma_start3A] : memref<16x41x1024xi32, #tpu.memory_space<hbm>> -> memref<1x1x1024xi32, #tpu.memory_space<hbm>>
            %dma_start3A_48 = tpu.memref_squeeze %dma_start3A_47 : memref<1x1x1024xi32, #tpu.memory_space<hbm>> -> memref<1024xi32, #tpu.memory_space<hbm>>
            %dma_start3A_49 = arith.constant 0 : i32
            %dma_start3A_50 = tpu.memref_slice %arg5[%arg1, %scan3A_37, %dma_start3A_49] : memref<16x41x1024xi32, #tpu.memory_space<hbm>> -> memref<1x1x1024xi32, #tpu.memory_space<hbm>>
            %dma_start3A_51 = tpu.memref_squeeze %dma_start3A_50 : memref<1x1x1024xi32, #tpu.memory_space<hbm>> -> memref<1024xi32, #tpu.memory_space<hbm>>
            tpu.enqueue_dma source(%dma_start3A_51 : memref<1024xi32, #tpu.memory_space<hbm>>) target(%arg13 : memref<1024xi32, #tpu.memory_space<vmem>>) target_semaphore(%run_scoped3A : memref<!tpu.dma_semaphore, #tpu.memory_space<semaphore_mem>>)
            %dma_wait3A = arith.constant 0 : i32
            %dma_wait3A_52 = tpu.memref_slice %arg5[%arg1, %scan3A_37, %dma_wait3A] : memref<16x41x1024xi32, #tpu.memory_space<hbm>> -> memref<1x1x1024xi32, #tpu.memory_space<hbm>>
            %dma_wait3A_53 = tpu.memref_squeeze %dma_wait3A_52 : memref<1x1x1024xi32, #tpu.memory_space<hbm>> -> memref<1024xi32, #tpu.memory_space<hbm>>
            %dma_wait3A_54 = arith.constant 0 : i32
            %dma_wait3A_55 = tpu.memref_slice %arg5[%arg1, %scan3A_37, %dma_wait3A_54] : memref<16x41x1024xi32, #tpu.memory_space<hbm>> -> memref<1x1x1024xi32, #tpu.memory_space<hbm>>
            %dma_wait3A_56 = tpu.memref_squeeze %dma_wait3A_55 : memref<1x1x1024xi32, #tpu.memory_space<hbm>> -> memref<1024xi32, #tpu.memory_space<hbm>>
            tpu.wait_dma2 semaphore(%run_scoped3A : memref<!tpu.dma_semaphore, #tpu.memory_space<semaphore_mem>>) src(%dma_wait3A_56 : memref<1024xi32, #tpu.memory_space<hbm>>) dst(%arg13 : memref<1024xi32, #tpu.memory_space<vmem>>)
            tpu.yield
          }) : () -> ()
          %scan3A_39 = arith.constant 0 : i32
          %scan3A_40 = arith.constant 0 : i32
          %scan3A_41 = arith.constant 64 : i32
          %scan3A_42 = arith.addi %scan3A_40, %scan3A_41 : i32
          %scan3A_43 = arith.constant 1 : i32
          %scan3A_44 = scf.for %scan3A_47 = %scan3A_40 to %scan3A_42 step %scan3A_43 iter_args(%scan3A_48 = %scan3A_39) -> (i32)  : i32 {
            %mul3A_49 = arith.constant 16 : i32
            %mul3A_50 = arith.muli %scan3A_47, %mul3A_49 : i32
            %get3A = arith.index_cast %mul3A_50 : i32 to index
            %get3A_51 = tpu.vector_load %arg11[%get3A] {strides = array<i32>} : memref<1024xi32, #tpu.memory_space<vmem>>, vector<16xi32>,
            %get3A_52 = vector.shape_cast %get3A_51 : vector<16xi32> to vector<16xi32>
            %get3A_53 = arith.index_cast %mul3A_50 : i32 to index
            %get3A_54 = tpu.vector_load %arg12[%get3A_53] {strides = array<i32>} : memref<1024xf32, #tpu.memory_space<vmem>>, vector<16xf32>,
            %get3A_55 = vector.shape_cast %get3A_54 : vector<16xf32> to vector<16xf32>
            %slice3A = vector.extract_strided_slice %get3A_52 {offsets = [0], sizes = [1], strides = [1]} : vector<16xi32> to vector<1xi32>
            %squeeze3A = vector.extract %slice3A[0] : i32 from vector<1xi32>
            %get3A_56 = arith.index_cast %squeeze3A : i32 to index
            %get3A_57 = arith.constant 0 : index
            %get3A_58 = tpu.vector_load %arg8[%get3A_56, %get3A_57] {strides = array<i32>} : memref<4096x16xf32, #tpu.memory_space<vmem>>, vector<1x16xf32>,
            %get3A_59 = vector.shape_cast %get3A_58 : vector<1x16xf32> to vector<16xf32>
            %slice3A_60 = vector.extract_strided_slice %get3A_55 {offsets = [0], sizes = [1], strides = [1]} : vector<16xf32> to vector<1xf32>
            %squeeze3A_61 = vector.extract %slice3A_60[0] : f32 from vector<1xf32>
            %mul3A_62 = vector.broadcast %squeeze3A_61 : f32 to vector<16xf32>
            %mul3A_63 = arith.mulf %get3A_59, %mul3A_62 : vector<16xf32>
            %add3A = arith.constant 0 : i32
            %add3A_64 = arith.addi %mul3A_50, %add3A : i32
            %swap3A = arith.index_cast %add3A_64 : i32 to index
            %swap3A_65 = arith.constant 0 : index
            %swap3A_66 = tpu.vector_load %arg10[%swap3A, %swap3A_65] {strides = array<i32>} : memref<1024x16xf32, #tpu.memory_space<vmem>>, vector<1x16xf32>,
            %swap3A_67 = vector.shape_cast %swap3A_66 : vector<1x16xf32> to vector<16xf32>
            %swap3A_68 = vector.shape_cast %mul3A_63 : vector<16xf32> to vector<1x16xf32>
            tpu.vector_store %arg10[%swap3A, %swap3A_65], %swap3A_68 {strides = array<i32>} : memref<1024x16xf32, #tpu.memory_space<vmem>>, vector<1x16xf32>,
            %slice3A_69 = vector.extract_strided_slice %get3A_52 {offsets = [1], sizes = [1], strides = [1]} : vector<16xi32> to vector<1xi32>
            %squeeze3A_70 = vector.extract %slice3A_69[0] : i32 from vector<1xi32>
            %get3A_71 = arith.index_cast %squeeze3A_70 : i32 to index
            %get3A_72 = arith.constant 0 : index
            %get3A_73 = tpu.vector_load %arg8[%get3A_71, %get3A_72] {strides = array<i32>} : memref<4096x16xf32, #tpu.memory_space<vmem>>, vector<1x16xf32>,
            %get3A_74 = vector.shape_cast %get3A_73 : vector<1x16xf32> to vector<16xf32>
            %slice3A_75 = vector.extract_strided_slice %get3A_55 {offsets = [1], sizes = [1], strides = [1]} : vector<16xf32> to vector<1xf32>
            %squeeze3A_76 = vector.extract %slice3A_75[0] : f32 from vector<1xf32>
            %mul3A_77 = vector.broadcast %squeeze3A_76 : f32 to vector<16xf32>
            %mul3A_78 = arith.mulf %get3A_74, %mul3A_77 : vector<16xf32>
            %add3A_79 = arith.constant 1 : i32
            %add3A_80 = arith.addi %mul3A_50, %add3A_79 : i32
            %swap3A_81 = arith.index_cast %add3A_80 : i32 to index
            %swap3A_82 = arith.constant 0 : index
            %swap3A_83 = tpu.vector_load %arg10[%swap3A_81, %swap3A_82] {strides = array<i32>} : memref<1024x16xf32, #tpu.memory_space<vmem>>, vector<1x16xf32>,
            %swap3A_84 = vector.shape_cast %swap3A_83 : vector<1x16xf32> to vector<16xf32>
            %swap3A_85 = vector.shape_cast %mul3A_78 : vector<16xf32> to vector<1x16xf32>
            tpu.vector_store %arg10[%swap3A_81, %swap3A_82], %swap3A_85 {strides = array<i32>} : memref<1024x16xf32, #tpu.memory_space<vmem>>, vector<1x16xf32>,
            %slice3A_86 = vector.extract_strided_slice %get3A_52 {offsets = [2], sizes = [1], strides = [1]} : vector<16xi32> to vector<1xi32>
            %squeeze3A_87 = vector.extract %slice3A_86[0] : i32 from vector<1xi32>
            %get3A_88 = arith.index_cast %squeeze3A_87 : i32 to index
            %get3A_89 = arith.constant 0 : index
            %get3A_90 = tpu.vector_load %arg8[%get3A_88, %get3A_89] {strides = array<i32>} : memref<4096x16xf32, #tpu.memory_space<vmem>>, vector<1x16xf32>,
            %get3A_91 = vector.shape_cast %get3A_90 : vector<1x16xf32> to vector<16xf32>
            %slice3A_92 = vector.extract_strided_slice %get3A_55 {offsets = [2], sizes = [1], strides = [1]} : vector<16xf32> to vector<1xf32>
            %squeeze3A_93 = vector.extract %slice3A_92[0] : f32 from vector<1xf32>
            %mul3A_94 = vector.broadcast %squeeze3A_93 : f32 to vector<16xf32>
            %mul3A_95 = arith.mulf %get3A_91, %mul3A_94 : vector<16xf32>
            %add3A_96 = arith.constant 2 : i32
            %add3A_97 = arith.addi %mul3A_50, %add3A_96 : i32
            %swap3A_98 = arith.index_cast %add3A_97 : i32 to index
            %swap3A_99 = arith.constant 0 : index
            %swap3A_100 = tpu.vector_load %arg10[%swap3A_98, %swap3A_99] {strides = array<i32>} : memref<1024x16xf32, #tpu.memory_space<vmem>>, vector<1x16xf32>,
            %swap3A_101 = vector.shape_cast %swap3A_100 : vector<1x16xf32> to vector<16xf32>
            %swap3A_102 = vector.shape_cast %mul3A_95 : vector<16xf32> to vector<1x16xf32>
            tpu.vector_store %arg10[%swap3A_98, %swap3A_99], %swap3A_102 {strides = array<i32>} : memref<1024x16xf32, #tpu.memory_space<vmem>>, vector<1x16xf32>,
            %slice3A_103 = vector.extract_strided_slice %get3A_52 {offsets = [3], sizes = [1], strides = [1]} : vector<16xi32> to vector<1xi32>
            %squeeze3A_104 = vector.extract %slice3A_103[0] : i32 from vector<1xi32>
            %get3A_105 = arith.index_cast %squeeze3A_104 : i32 to index
            %get3A_106 = arith.constant 0 : index
            %get3A_107 = tpu.vector_load %arg8[%get3A_105, %get3A_106] {strides = array<i32>} : memref<4096x16xf32, #tpu.memory_space<vmem>>, vector<1x16xf32>,
            %get3A_108 = vector.shape_cast %get3A_107 : vector<1x16xf32> to vector<16xf32>
            %slice3A_109 = vector.extract_strided_slice %get3A_55 {offsets = [3], sizes = [1], strides = [1]} : vector<16xf32> to vector<1xf32>
            %squeeze3A_110 = vector.extract %slice3A_109[0] : f32 from vector<1xf32>
            %mul3A_111 = vector.broadcast %squeeze3A_110 : f32 to vector<16xf32>
            %mul3A_112 = arith.mulf %get3A_108, %mul3A_111 : vector<16xf32>
            %add3A_113 = arith.constant 3 : i32
            %add3A_114 = arith.addi %mul3A_50, %add3A_113 : i32
            %swap3A_115 = arith.index_cast %add3A_114 : i32 to index
            %swap3A_116 = arith.constant 0 : index
            %swap3A_117 = tpu.vector_load %arg10[%swap3A_115, %swap3A_116] {strides = array<i32>} : memref<1024x16xf32, #tpu.memory_space<vmem>>, vector<1x16xf32>,
            %swap3A_118 = vector.shape_cast %swap3A_117 : vector<1x16xf32> to vector<16xf32>
            %swap3A_119 = vector.shape_cast %mul3A_112 : vector<16xf32> to vector<1x16xf32>
            tpu.vector_store %arg10[%swap3A_115, %swap3A_116], %swap3A_119 {strides = array<i32>} : memref<1024x16xf32, #tpu.memory_space<vmem>>, vector<1x16xf32>,
            %slice3A_120 = vector.extract_strided_slice %get3A_52 {offsets = [4], sizes = [1], strides = [1]} : vector<16xi32> to vector<1xi32>
            %squeeze3A_121 = vector.extract %slice3A_120[0] : i32 from vector<1xi32>
            %get3A_122 = arith.index_cast %squeeze3A_121 : i32 to index
            %get3A_123 = arith.constant 0 : index
            %get3A_124 = tpu.vector_load %arg8[%get3A_122, %get3A_123] {strides = array<i32>} : memref<4096x16xf32, #tpu.memory_space<vmem>>, vector<1x16xf32>,
            %get3A_125 = vector.shape_cast %get3A_124 : vector<1x16xf32> to vector<16xf32>
            %slice3A_126 = vector.extract_strided_slice %get3A_55 {offsets = [4], sizes = [1], strides = [1]} : vector<16xf32> to vector<1xf32>
            %squeeze3A_127 = vector.extract %slice3A_126[0] : f32 from vector<1xf32>
            %mul3A_128 = vector.broadcast %squeeze3A_127 : f32 to vector<16xf32>
            %mul3A_129 = arith.mulf %get3A_125, %mul3A_128 : vector<16xf32>
            %add3A_130 = arith.constant 4 : i32
            %add3A_131 = arith.addi %mul3A_50, %add3A_130 : i32
            %swap3A_132 = arith.index_cast %add3A_131 : i32 to index
            %swap3A_133 = arith.constant 0 : index
            %swap3A_134 = tpu.vector_load %arg10[%swap3A_132, %swap3A_133] {strides = array<i32>} : memref<1024x16xf32, #tpu.memory_space<vmem>>, vector<1x16xf32>,
            %swap3A_135 = vector.shape_cast %swap3A_134 : vector<1x16xf32> to vector<16xf32>
            %swap3A_136 = vector.shape_cast %mul3A_129 : vector<16xf32> to vector<1x16xf32>
            tpu.vector_store %arg10[%swap3A_132, %swap3A_133], %swap3A_136 {strides = array<i32>} : memref<1024x16xf32, #tpu.memory_space<vmem>>, vector<1x16xf32>,
            %slice3A_137 = vector.extract_strided_slice %get3A_52 {offsets = [5], sizes = [1], strides = [1]} : vector<16xi32> to vector<1xi32>
            %squeeze3A_138 = vector.extract %slice3A_137[0] : i32 from vector<1xi32>
            %get3A_139 = arith.index_cast %squeeze3A_138 : i32 to index
            %get3A_140 = arith.constant 0 : index
            %get3A_141 = tpu.vector_load %arg8[%get3A_139, %get3A_140] {strides = array<i32>} : memref<4096x16xf32, #tpu.memory_space<vmem>>, vector<1x16xf32>,
            %get3A_142 = vector.shape_cast %get3A_141 : vector<1x16xf32> to vector<16xf32>
            %slice3A_143 = vector.extract_strided_slice %get3A_55 {offsets = [5], sizes = [1], strides = [1]} : vector<16xf32> to vector<1xf32>
            %squeeze3A_144 = vector.extract %slice3A_143[0] : f32 from vector<1xf32>
            %mul3A_145 = vector.broadcast %squeeze3A_144 : f32 to vector<16xf32>
            %mul3A_146 = arith.mulf %get3A_142, %mul3A_145 : vector<16xf32>
            %add3A_147 = arith.constant 5 : i32
            %add3A_148 = arith.addi %mul3A_50, %add3A_147 : i32
            %swap3A_149 = arith.index_cast %add3A_148 : i32 to index
            %swap3A_150 = arith.constant 0 : index
            %swap3A_151 = tpu.vector_load %arg10[%swap3A_149, %swap3A_150] {strides = array<i32>} : memref<1024x16xf32, #tpu.memory_space<vmem>>, vector<1x16xf32>,
            %swap3A_152 = vector.shape_cast %swap3A_151 : vector<1x16xf32> to vector<16xf32>
            %swap3A_153 = vector.shape_cast %mul3A_146 : vector<16xf32> to vector<1x16xf32>
            tpu.vector_store %arg10[%swap3A_149, %swap3A_150], %swap3A_153 {strides = array<i32>} : memref<1024x16xf32, #tpu.memory_space<vmem>>, vector<1x16xf32>,
            %slice3A_154 = vector.extract_strided_slice %get3A_52 {offsets = [6], sizes = [1], strides = [1]} : vector<16xi32> to vector<1xi32>
            %squeeze3A_155 = vector.extract %slice3A_154[0] : i32 from vector<1xi32>
            %get3A_156 = arith.index_cast %squeeze3A_155 : i32 to index
            %get3A_157 = arith.constant 0 : index
            %get3A_158 = tpu.vector_load %arg8[%get3A_156, %get3A_157] {strides = array<i32>} : memref<4096x16xf32, #tpu.memory_space<vmem>>, vector<1x16xf32>,
            %get3A_159 = vector.shape_cast %get3A_158 : vector<1x16xf32> to vector<16xf32>
            %slice3A_160 = vector.extract_strided_slice %get3A_55 {offsets = [6], sizes = [1], strides = [1]} : vector<16xf32> to vector<1xf32>
            %squeeze3A_161 = vector.extract %slice3A_160[0] : f32 from vector<1xf32>
            %mul3A_162 = vector.broadcast %squeeze3A_161 : f32 to vector<16xf32>
            %mul3A_163 = arith.mulf %get3A_159, %mul3A_162 : vector<16xf32>
            %add3A_164 = arith.constant 6 : i32
            %add3A_165 = arith.addi %mul3A_50, %add3A_164 : i32
            %swap3A_166 = arith.index_cast %add3A_165 : i32 to index
            %swap3A_167 = arith.constant 0 : index
            %swap3A_168 = tpu.vector_load %arg10[%swap3A_166, %swap3A_167] {strides = array<i32>} : memref<1024x16xf32, #tpu.memory_space<vmem>>, vector<1x16xf32>,
            %swap3A_169 = vector.shape_cast %swap3A_168 : vector<1x16xf32> to vector<16xf32>
            %swap3A_170 = vector.shape_cast %mul3A_163 : vector<16xf32> to vector<1x16xf32>
            tpu.vector_store %arg10[%swap3A_166, %swap3A_167], %swap3A_170 {strides = array<i32>} : memref<1024x16xf32, #tpu.memory_space<vmem>>, vector<1x16xf32>,
            %slice3A_171 = vector.extract_strided_slice %get3A_52 {offsets = [7], sizes = [1], strides = [1]} : vector<16xi32> to vector<1xi32>
            %squeeze3A_172 = vector.extract %slice3A_171[0] : i32 from vector<1xi32>
            %get3A_173 = arith.index_cast %squeeze3A_172 : i32 to index
            %get3A_174 = arith.constant 0 : index
            %get3A_175 = tpu.vector_load %arg8[%get3A_173, %get3A_174] {strides = array<i32>} : memref<4096x16xf32, #tpu.memory_space<vmem>>, vector<1x16xf32>,
            %get3A_176 = vector.shape_cast %get3A_175 : vector<1x16xf32> to vector<16xf32>
            %slice3A_177 = vector.extract_strided_slice %get3A_55 {offsets = [7], sizes = [1], strides = [1]} : vector<16xf32> to vector<1xf32>
            %squeeze3A_178 = vector.extract %slice3A_177[0] : f32 from vector<1xf32>
            %mul3A_179 = vector.broadcast %squeeze3A_178 : f32 to vector<16xf32>
            %mul3A_180 = arith.mulf %get3A_176, %mul3A_179 : vector<16xf32>
            %add3A_181 = arith.constant 7 : i32
            %add3A_182 = arith.addi %mul3A_50, %add3A_181 : i32
            %swap3A_183 = arith.index_cast %add3A_182 : i32 to index
            %swap3A_184 = arith.constant 0 : index
            %swap3A_185 = tpu.vector_load %arg10[%swap3A_183, %swap3A_184] {strides = array<i32>} : memref<1024x16xf32, #tpu.memory_space<vmem>>, vector<1x16xf32>,
            %swap3A_186 = vector.shape_cast %swap3A_185 : vector<1x16xf32> to vector<16xf32>
            %swap3A_187 = vector.shape_cast %mul3A_180 : vector<16xf32> to vector<1x16xf32>
            tpu.vector_store %arg10[%swap3A_183, %swap3A_184], %swap3A_187 {strides = array<i32>} : memref<1024x16xf32, #tpu.memory_space<vmem>>, vector<1x16xf32>,
            %slice3A_188 = vector.extract_strided_slice %get3A_52 {offsets = [8], sizes = [1], strides = [1]} : vector<16xi32> to vector<1xi32>
            %squeeze3A_189 = vector.extract %slice3A_188[0] : i32 from vector<1xi32>
            %get3A_190 = arith.index_cast %squeeze3A_189 : i32 to index
            %get3A_191 = arith.constant 0 : index
            %get3A_192 = tpu.vector_load %arg8[%get3A_190, %get3A_191] {strides = array<i32>} : memref<4096x16xf32, #tpu.memory_space<vmem>>, vector<1x16xf32>,
            %get3A_193 = vector.shape_cast %get3A_192 : vector<1x16xf32> to vector<16xf32>
            %slice3A_194 = vector.extract_strided_slice %get3A_55 {offsets = [8], sizes = [1], strides = [1]} : vector<16xf32> to vector<1xf32>
            %squeeze3A_195 = vector.extract %slice3A_194[0] : f32 from vector<1xf32>
            %mul3A_196 = vector.broadcast %squeeze3A_195 : f32 to vector<16xf32>
            %mul3A_197 = arith.mulf %get3A_193, %mul3A_196 : vector<16xf32>
            %add3A_198 = arith.constant 8 : i32
            %add3A_199 = arith.addi %mul3A_50, %add3A_198 : i32
            %swap3A_200 = arith.index_cast %add3A_199 : i32 to index
            %swap3A_201 = arith.constant 0 : index
            %swap3A_202 = tpu.vector_load %arg10[%swap3A_200, %swap3A_201] {strides = array<i32>} : memref<1024x16xf32, #tpu.memory_space<vmem>>, vector<1x16xf32>,
            %swap3A_203 = vector.shape_cast %swap3A_202 : vector<1x16xf32> to vector<16xf32>
            %swap3A_204 = vector.shape_cast %mul3A_197 : vector<16xf32> to vector<1x16xf32>
            tpu.vector_store %arg10[%swap3A_200, %swap3A_201], %swap3A_204 {strides = array<i32>} : memref<1024x16xf32, #tpu.memory_space<vmem>>, vector<1x16xf32>,
            %slice3A_205 = vector.extract_strided_slice %get3A_52 {offsets = [9], sizes = [1], strides = [1]} : vector<16xi32> to vector<1xi32>
            %squeeze3A_206 = vector.extract %slice3A_205[0] : i32 from vector<1xi32>
            %get3A_207 = arith.index_cast %squeeze3A_206 : i32 to index
            %get3A_208 = arith.constant 0 : index
            %get3A_209 = tpu.vector_load %arg8[%get3A_207, %get3A_208] {strides = array<i32>} : memref<4096x16xf32, #tpu.memory_space<vmem>>, vector<1x16xf32>,
            %get3A_210 = vector.shape_cast %get3A_209 : vector<1x16xf32> to vector<16xf32>
            %slice3A_211 = vector.extract_strided_slice %get3A_55 {offsets = [9], sizes = [1], strides = [1]} : vector<16xf32> to vector<1xf32>
            %squeeze3A_212 = vector.extract %slice3A_211[0] : f32 from vector<1xf32>
            %mul3A_213 = vector.broadcast %squeeze3A_212 : f32 to vector<16xf32>
            %mul3A_214 = arith.mulf %get3A_210, %mul3A_213 : vector<16xf32>
            %add3A_215 = arith.constant 9 : i32
            %add3A_216 = arith.addi %mul3A_50, %add3A_215 : i32
            %swap3A_217 = arith.index_cast %add3A_216 : i32 to index
            %swap3A_218 = arith.constant 0 : index
            %swap3A_219 = tpu.vector_load %arg10[%swap3A_217, %swap3A_218] {strides = array<i32>} : memref<1024x16xf32, #tpu.memory_space<vmem>>, vector<1x16xf32>,
            %swap3A_220 = vector.shape_cast %swap3A_219 : vector<1x16xf32> to vector<16xf32>
            %swap3A_221 = vector.shape_cast %mul3A_214 : vector<16xf32> to vector<1x16xf32>
            tpu.vector_store %arg10[%swap3A_217, %swap3A_218], %swap3A_221 {strides = array<i32>} : memref<1024x16xf32, #tpu.memory_space<vmem>>, vector<1x16xf32>,
            %slice3A_222 = vector.extract_strided_slice %get3A_52 {offsets = [10], sizes = [1], strides = [1]} : vector<16xi32> to vector<1xi32>
            %squeeze3A_223 = vector.extract %slice3A_222[0] : i32 from vector<1xi32>
            %get3A_224 = arith.index_cast %squeeze3A_223 : i32 to index
            %get3A_225 = arith.constant 0 : index
            %get3A_226 = tpu.vector_load %arg8[%get3A_224, %get3A_225] {strides = array<i32>} : memref<4096x16xf32, #tpu.memory_space<vmem>>, vector<1x16xf32>,
            %get3A_227 = vector.shape_cast %get3A_226 : vector<1x16xf32> to vector<16xf32>
            %slice3A_228 = vector.extract_strided_slice %get3A_55 {offsets = [10], sizes = [1], strides = [1]} : vector<16xf32> to vector<1xf32>
            %squeeze3A_229 = vector.extract %slice3A_228[0] : f32 from vector<1xf32>
            %mul3A_230 = vector.broadcast %squeeze3A_229 : f32 to vector<16xf32>
            %mul3A_231 = arith.mulf %get3A_227, %mul3A_230 : vector<16xf32>
            %add3A_232 = arith.constant 10 : i32
            %add3A_233 = arith.addi %mul3A_50, %add3A_232 : i32
            %swap3A_234 = arith.index_cast %add3A_233 : i32 to index
            %swap3A_235 = arith.constant 0 : index
            %swap3A_236 = tpu.vector_load %arg10[%swap3A_234, %swap3A_235] {strides = array<i32>} : memref<1024x16xf32, #tpu.memory_space<vmem>>, vector<1x16xf32>,
            %swap3A_237 = vector.shape_cast %swap3A_236 : vector<1x16xf32> to vector<16xf32>
            %swap3A_238 = vector.shape_cast %mul3A_231 : vector<16xf32> to vector<1x16xf32>
            tpu.vector_store %arg10[%swap3A_234, %swap3A_235], %swap3A_238 {strides = array<i32>} : memref<1024x16xf32, #tpu.memory_space<vmem>>, vector<1x16xf32>,
            %slice3A_239 = vector.extract_strided_slice %get3A_52 {offsets = [11], sizes = [1], strides = [1]} : vector<16xi32> to vector<1xi32>
            %squeeze3A_240 = vector.extract %slice3A_239[0] : i32 from vector<1xi32>
            %get3A_241 = arith.index_cast %squeeze3A_240 : i32 to index
            %get3A_242 = arith.constant 0 : index
            %get3A_243 = tpu.vector_load %arg8[%get3A_241, %get3A_242] {strides = array<i32>} : memref<4096x16xf32, #tpu.memory_space<vmem>>, vector<1x16xf32>,
            %get3A_244 = vector.shape_cast %get3A_243 : vector<1x16xf32> to vector<16xf32>
            %slice3A_245 = vector.extract_strided_slice %get3A_55 {offsets = [11], sizes = [1], strides = [1]} : vector<16xf32> to vector<1xf32>
            %squeeze3A_246 = vector.extract %slice3A_245[0] : f32 from vector<1xf32>
            %mul3A_247 = vector.broadcast %squeeze3A_246 : f32 to vector<16xf32>
            %mul3A_248 = arith.mulf %get3A_244, %mul3A_247 : vector<16xf32>
            %add3A_249 = arith.constant 11 : i32
            %add3A_250 = arith.addi %mul3A_50, %add3A_249 : i32
            %swap3A_251 = arith.index_cast %add3A_250 : i32 to index
            %swap3A_252 = arith.constant 0 : index
            %swap3A_253 = tpu.vector_load %arg10[%swap3A_251, %swap3A_252] {strides = array<i32>} : memref<1024x16xf32, #tpu.memory_space<vmem>>, vector<1x16xf32>,
            %swap3A_254 = vector.shape_cast %swap3A_253 : vector<1x16xf32> to vector<16xf32>
            %swap3A_255 = vector.shape_cast %mul3A_248 : vector<16xf32> to vector<1x16xf32>
            tpu.vector_store %arg10[%swap3A_251, %swap3A_252], %swap3A_255 {strides = array<i32>} : memref<1024x16xf32, #tpu.memory_space<vmem>>, vector<1x16xf32>,
            %slice3A_256 = vector.extract_strided_slice %get3A_52 {offsets = [12], sizes = [1], strides = [1]} : vector<16xi32> to vector<1xi32>
            %squeeze3A_257 = vector.extract %slice3A_256[0] : i32 from vector<1xi32>
            %get3A_258 = arith.index_cast %squeeze3A_257 : i32 to index
            %get3A_259 = arith.constant 0 : index
            %get3A_260 = tpu.vector_load %arg8[%get3A_258, %get3A_259] {strides = array<i32>} : memref<4096x16xf32, #tpu.memory_space<vmem>>, vector<1x16xf32>,
            %get3A_261 = vector.shape_cast %get3A_260 : vector<1x16xf32> to vector<16xf32>
            %slice3A_262 = vector.extract_strided_slice %get3A_55 {offsets = [12], sizes = [1], strides = [1]} : vector<16xf32> to vector<1xf32>
            %squeeze3A_263 = vector.extract %slice3A_262[0] : f32 from vector<1xf32>
            %mul3A_264 = vector.broadcast %squeeze3A_263 : f32 to vector<16xf32>
            %mul3A_265 = arith.mulf %get3A_261, %mul3A_264 : vector<16xf32>
            %add3A_266 = arith.constant 12 : i32
            %add3A_267 = arith.addi %mul3A_50, %add3A_266 : i32
            %swap3A_268 = arith.index_cast %add3A_267 : i32 to index
            %swap3A_269 = arith.constant 0 : index
            %swap3A_270 = tpu.vector_load %arg10[%swap3A_268, %swap3A_269] {strides = array<i32>} : memref<1024x16xf32, #tpu.memory_space<vmem>>, vector<1x16xf32>,
            %swap3A_271 = vector.shape_cast %swap3A_270 : vector<1x16xf32> to vector<16xf32>
            %swap3A_272 = vector.shape_cast %mul3A_265 : vector<16xf32> to vector<1x16xf32>
            tpu.vector_store %arg10[%swap3A_268, %swap3A_269], %swap3A_272 {strides = array<i32>} : memref<1024x16xf32, #tpu.memory_space<vmem>>, vector<1x16xf32>,
            %slice3A_273 = vector.extract_strided_slice %get3A_52 {offsets = [13], sizes = [1], strides = [1]} : vector<16xi32> to vector<1xi32>
            %squeeze3A_274 = vector.extract %slice3A_273[0] : i32 from vector<1xi32>
            %get3A_275 = arith.index_cast %squeeze3A_274 : i32 to index
            %get3A_276 = arith.constant 0 : index
            %get3A_277 = tpu.vector_load %arg8[%get3A_275, %get3A_276] {strides = array<i32>} : memref<4096x16xf32, #tpu.memory_space<vmem>>, vector<1x16xf32>,
            %get3A_278 = vector.shape_cast %get3A_277 : vector<1x16xf32> to vector<16xf32>
            %slice3A_279 = vector.extract_strided_slice %get3A_55 {offsets = [13], sizes = [1], strides = [1]} : vector<16xf32> to vector<1xf32>
            %squeeze3A_280 = vector.extract %slice3A_279[0] : f32 from vector<1xf32>
            %mul3A_281 = vector.broadcast %squeeze3A_280 : f32 to vector<16xf32>
            %mul3A_282 = arith.mulf %get3A_278, %mul3A_281 : vector<16xf32>
            %add3A_283 = arith.constant 13 : i32
            %add3A_284 = arith.addi %mul3A_50, %add3A_283 : i32
            %swap3A_285 = arith.index_cast %add3A_284 : i32 to index
            %swap3A_286 = arith.constant 0 : index
            %swap3A_287 = tpu.vector_load %arg10[%swap3A_285, %swap3A_286] {strides = array<i32>} : memref<1024x16xf32, #tpu.memory_space<vmem>>, vector<1x16xf32>,
            %swap3A_288 = vector.shape_cast %swap3A_287 : vector<1x16xf32> to vector<16xf32>
            %swap3A_289 = vector.shape_cast %mul3A_282 : vector<16xf32> to vector<1x16xf32>
            tpu.vector_store %arg10[%swap3A_285, %swap3A_286], %swap3A_289 {strides = array<i32>} : memref<1024x16xf32, #tpu.memory_space<vmem>>, vector<1x16xf32>,
            %slice3A_290 = vector.extract_strided_slice %get3A_52 {offsets = [14], sizes = [1], strides = [1]} : vector<16xi32> to vector<1xi32>
            %squeeze3A_291 = vector.extract %slice3A_290[0] : i32 from vector<1xi32>
            %get3A_292 = arith.index_cast %squeeze3A_291 : i32 to index
            %get3A_293 = arith.constant 0 : index
            %get3A_294 = tpu.vector_load %arg8[%get3A_292, %get3A_293] {strides = array<i32>} : memref<4096x16xf32, #tpu.memory_space<vmem>>, vector<1x16xf32>,
            %get3A_295 = vector.shape_cast %get3A_294 : vector<1x16xf32> to vector<16xf32>
            %slice3A_296 = vector.extract_strided_slice %get3A_55 {offsets = [14], sizes = [1], strides = [1]} : vector<16xf32> to vector<1xf32>
            %squeeze3A_297 = vector.extract %slice3A_296[0] : f32 from vector<1xf32>
            %mul3A_298 = vector.broadcast %squeeze3A_297 : f32 to vector<16xf32>
            %mul3A_299 = arith.mulf %get3A_295, %mul3A_298 : vector<16xf32>
            %add3A_300 = arith.constant 14 : i32
            %add3A_301 = arith.addi %mul3A_50, %add3A_300 : i32
            %swap3A_302 = arith.index_cast %add3A_301 : i32 to index
            %swap3A_303 = arith.constant 0 : index
            %swap3A_304 = tpu.vector_load %arg10[%swap3A_302, %swap3A_303] {strides = array<i32>} : memref<1024x16xf32, #tpu.memory_space<vmem>>, vector<1x16xf32>,
            %swap3A_305 = vector.shape_cast %swap3A_304 : vector<1x16xf32> to vector<16xf32>
            %swap3A_306 = vector.shape_cast %mul3A_299 : vector<16xf32> to vector<1x16xf32>
            tpu.vector_store %arg10[%swap3A_302, %swap3A_303], %swap3A_306 {strides = array<i32>} : memref<1024x16xf32, #tpu.memory_space<vmem>>, vector<1x16xf32>,
            %slice3A_307 = vector.extract_strided_slice %get3A_52 {offsets = [15], sizes = [1], strides = [1]} : vector<16xi32> to vector<1xi32>
            %squeeze3A_308 = vector.extract %slice3A_307[0] : i32 from vector<1xi32>
            %get3A_309 = arith.index_cast %squeeze3A_308 : i32 to index
            %get3A_310 = arith.constant 0 : index
            %get3A_311 = tpu.vector_load %arg8[%get3A_309, %get3A_310] {strides = array<i32>} : memref<4096x16xf32, #tpu.memory_space<vmem>>, vector<1x16xf32>,
            %get3A_312 = vector.shape_cast %get3A_311 : vector<1x16xf32> to vector<16xf32>
            %slice3A_313 = vector.extract_strided_slice %get3A_55 {offsets = [15], sizes = [1], strides = [1]} : vector<16xf32> to vector<1xf32>
            %squeeze3A_314 = vector.extract %slice3A_313[0] : f32 from vector<1xf32>
            %mul3A_315 = vector.broadcast %squeeze3A_314 : f32 to vector<16xf32>
            %mul3A_316 = arith.mulf %get3A_312, %mul3A_315 : vector<16xf32>
            %add3A_317 = arith.constant 15 : i32
            %add3A_318 = arith.addi %mul3A_50, %add3A_317 : i32
            %swap3A_319 = arith.index_cast %add3A_318 : i32 to index
            %swap3A_320 = arith.constant 0 : index
            %swap3A_321 = tpu.vector_load %arg10[%swap3A_319, %swap3A_320] {strides = array<i32>} : memref<1024x16xf32, #tpu.memory_space<vmem>>, vector<1x16xf32>,
            %swap3A_322 = vector.shape_cast %swap3A_321 : vector<1x16xf32> to vector<16xf32>
            %swap3A_323 = vector.shape_cast %mul3A_316 : vector<16xf32> to vector<1x16xf32>
            tpu.vector_store %arg10[%swap3A_319, %swap3A_320], %swap3A_323 {strides = array<i32>} : memref<1024x16xf32, #tpu.memory_space<vmem>>, vector<1x16xf32>,
            %scan3A_324 = arith.constant 0 : i32
            scf.yield %scan3A_324 : i32
          }
          %scan3A_45 = arith.constant 64 : i32
          "tpu.region"() ({
            %run_scoped3A = tpu.sem_alloc : memref<!tpu.dma_semaphore, #tpu.memory_space<semaphore_mem>>
            %dma_start3A = arith.constant 0 : i32
            %dma_start3A_47 = arith.constant 0 : i32
            %dma_start3A_48 = tpu.memref_slice %arg16[%dma_start3A, %dma_start3A_47] : memref<16384x16xf32, #tpu.memory_space<vmem_shared>> -> memref<16384x16xf32, #tpu.memory_space<vmem_shared>>
            tpu.enqueue_indirect_dma source(%arg10 : memref<1024x16xf32, #tpu.memory_space<vmem>>) target(%dma_start3A_48 : memref<16384x16xf32, #tpu.memory_space<vmem_shared>>) offsets(%arg13 : memref<1024xi32, #tpu.memory_space<vmem>>) semaphore(%run_scoped3A : memref<!tpu.dma_semaphore, #tpu.memory_space<semaphore_mem>>) {add = true}
            %dma_wait3A = arith.constant 0 : i32
            %dma_wait3A_49 = arith.constant 0 : i32
            %dma_wait3A_50 = tpu.memref_slice %arg16[%dma_wait3A, %dma_wait3A_49] : memref<16384x16xf32, #tpu.memory_space<vmem_shared>> -> memref<16384x16xf32, #tpu.memory_space<vmem_shared>>
            tpu.wait_indirect_dma semaphore(%run_scoped3A : memref<!tpu.dma_semaphore, #tpu.memory_space<semaphore_mem>>) src(%arg10 : memref<1024x16xf32, #tpu.memory_space<vmem>>) dst(%dma_wait3A_50 : memref<16384x16xf32, #tpu.memory_space<vmem_shared>>)
            tpu.yield
          }) : () -> ()
          %scan3A_46 = arith.constant 0 : i32
          scf.yield %scan3A_46 : i32
        }
        %scan3A_36 = arith.constant 41 : i32
      } else {
      }
      %barrier3A_13 = arith.constant 0 : index
      tpu.barrier barrier_id(%barrier3A_13)
      %mul3A_14 = arith.constant 1024 : i32
      %mul3A_15 = arith.muli %arg1, %mul3A_14 : i32
      "tpu.region"() ({
        %run_scoped3A = tpu.sem_alloc : memref<!tpu.dma_semaphore, #tpu.memory_space<semaphore_mem>>
        %dma_start3A = arith.constant 0 : i32
        %dma_start3A_30 = tpu.memref_slice %arg16[%mul3A_15, %dma_start3A] : memref<16384x16xf32, #tpu.memory_space<vmem_shared>> -> memref<1024x16xf32, #tpu.memory_space<vmem_shared>>
        %dma_start3A_31 = arith.constant 0 : i32
        %dma_start3A_32 = tpu.memref_slice %arg16[%mul3A_15, %dma_start3A_31] : memref<16384x16xf32, #tpu.memory_space<vmem_shared>> -> memref<1024x16xf32, #tpu.memory_space<vmem_shared>>
        tpu.enqueue_dma source(%dma_start3A_32 : memref<1024x16xf32, #tpu.memory_space<vmem_shared>>) target(%arg9 : memref<1024x16xf32, #tpu.memory_space<vmem>>) target_semaphore(%run_scoped3A : memref<!tpu.dma_semaphore, #tpu.memory_space<semaphore_mem>>)
        %dma_wait3A = arith.constant 0 : i32
        %dma_wait3A_33 = tpu.memref_slice %arg16[%mul3A_15, %dma_wait3A] : memref<16384x16xf32, #tpu.memory_space<vmem_shared>> -> memref<1024x16xf32, #tpu.memory_space<vmem_shared>>
        %dma_wait3A_34 = arith.constant 0 : i32
        %dma_wait3A_35 = tpu.memref_slice %arg16[%mul3A_15, %dma_wait3A_34] : memref<16384x16xf32, #tpu.memory_space<vmem_shared>> -> memref<1024x16xf32, #tpu.memory_space<vmem_shared>>
        tpu.wait_dma2 semaphore(%run_scoped3A : memref<!tpu.dma_semaphore, #tpu.memory_space<semaphore_mem>>) src(%dma_wait3A_35 : memref<1024x16xf32, #tpu.memory_space<vmem_shared>>) dst(%arg9 : memref<1024x16xf32, #tpu.memory_space<vmem>>)
        tpu.yield
      }) : () -> ()
      %scan3A_16 = arith.constant 0 : i32
      %scan3A_17 = arith.constant 0 : i32
      %scan3A_18 = arith.constant 256 : i32
      %scan3A_19 = arith.addi %scan3A_17, %scan3A_18 : i32
      %scan3A_20 = arith.constant 1 : i32
      %scan3A_21 = scf.for %scan3A_30 = %scan3A_17 to %scan3A_19 step %scan3A_20 iter_args(%scan3A_31 = %scan3A_16) -> (i32)  : i32 {
        %get3A = arith.index_cast %scan3A_30 : i32 to index
        %get3A_32 = arith.constant 0 : index
        %get3A_33 = tpu.vector_load %arg9[%get3A, %get3A_32] {strides = array<i32>} : memref<1024x16xf32, #tpu.memory_space<vmem>>, vector<1x16xf32>,
        %get3A_34 = vector.shape_cast %get3A_33 : vector<1x16xf32> to vector<16xf32>
        %add3A = arith.constant 256 : i32
        %add3A_35 = arith.addi %add3A, %scan3A_30 : i32
        %get3A_36 = arith.index_cast %add3A_35 : i32 to index
        %get3A_37 = arith.constant 0 : index
        %get3A_38 = tpu.vector_load %arg9[%get3A_36, %get3A_37] {strides = array<i32>} : memref<1024x16xf32, #tpu.memory_space<vmem>>, vector<1x16xf32>,
        %get3A_39 = vector.shape_cast %get3A_38 : vector<1x16xf32> to vector<16xf32>
        %add3A_40 = arith.constant 512 : i32
        %add3A_41 = arith.addi %add3A_40, %scan3A_30 : i32
        %get3A_42 = arith.index_cast %add3A_41 : i32 to index
        %get3A_43 = arith.constant 0 : index
        %get3A_44 = tpu.vector_load %arg9[%get3A_42, %get3A_43] {strides = array<i32>} : memref<1024x16xf32, #tpu.memory_space<vmem>>, vector<1x16xf32>,
        %get3A_45 = vector.shape_cast %get3A_44 : vector<1x16xf32> to vector<16xf32>
        %add3A_46 = arith.constant 768 : i32
        %add3A_47 = arith.addi %add3A_46, %scan3A_30 : i32
        %get3A_48 = arith.index_cast %add3A_47 : i32 to index
        %get3A_49 = arith.constant 0 : index
        %get3A_50 = tpu.vector_load %arg9[%get3A_48, %get3A_49] {strides = array<i32>} : memref<1024x16xf32, #tpu.memory_space<vmem>>, vector<1x16xf32>,
        %get3A_51 = vector.shape_cast %get3A_50 : vector<1x16xf32> to vector<16xf32>
        %get3A_52 = arith.index_cast %scan3A_30 : i32 to index
        %get3A_53 = arith.constant 0 : index
        %get3A_54 = tpu.vector_load %arg14[%get3A_52, %get3A_53] {strides = array<i32>} : memref<256x16xf32, #tpu.memory_space<vmem>>, vector<1x16xf32>,
        %get3A_55 = vector.shape_cast %get3A_54 : vector<1x16xf32> to vector<16xf32>
        %neg3A = arith.constant 0.000000e+00 : f32
        %neg3A_56 = vector.broadcast %neg3A : f32 to vector<16xf32>
        %neg3A_57 = arith.subf %neg3A_56, %get3A_34 : vector<16xf32>
        %exp3A = math.exp %neg3A_57 : vector<16xf32>
        %add3A_58 = arith.constant 1.000000e+00 : f32
        %add3A_59 = vector.broadcast %add3A_58 : f32 to vector<16xf32>
        %add3A_60 = arith.addf %add3A_59, %exp3A : vector<16xf32>
        %div3A = arith.constant 1.000000e+00 : f32
        %div3A_61 = vector.broadcast %div3A : f32 to vector<16xf32>
        %div3A_62 = arith.divf %div3A_61, %add3A_60 : vector<16xf32>
        %neg3A_63 = arith.constant 0.000000e+00 : f32
        %neg3A_64 = vector.broadcast %neg3A_63 : f32 to vector<16xf32>
        %neg3A_65 = arith.subf %neg3A_64, %get3A_39 : vector<16xf32>
        %exp3A_66 = math.exp %neg3A_65 : vector<16xf32>
        %add3A_67 = arith.constant 1.000000e+00 : f32
        %add3A_68 = vector.broadcast %add3A_67 : f32 to vector<16xf32>
        %add3A_69 = arith.addf %add3A_68, %exp3A_66 : vector<16xf32>
        %div3A_70 = arith.constant 1.000000e+00 : f32
        %div3A_71 = vector.broadcast %div3A_70 : f32 to vector<16xf32>
        %div3A_72 = arith.divf %div3A_71, %add3A_69 : vector<16xf32>
        %neg3A_73 = arith.constant 0.000000e+00 : f32
        %neg3A_74 = vector.broadcast %neg3A_73 : f32 to vector<16xf32>
        %neg3A_75 = arith.subf %neg3A_74, %get3A_51 : vector<16xf32>
        %exp3A_76 = math.exp %neg3A_75 : vector<16xf32>
        %add3A_77 = arith.constant 1.000000e+00 : f32
        %add3A_78 = vector.broadcast %add3A_77 : f32 to vector<16xf32>
        %add3A_79 = arith.addf %add3A_78, %exp3A_76 : vector<16xf32>
        %div3A_80 = arith.constant 1.000000e+00 : f32
        %div3A_81 = vector.broadcast %div3A_80 : f32 to vector<16xf32>
        %div3A_82 = arith.divf %div3A_81, %add3A_79 : vector<16xf32>
        %mul3A_83 = arith.constant -2.000000e+00 : f32
        %mul3A_84 = vector.broadcast %mul3A_83 : f32 to vector<16xf32>
        %mul3A_85 = arith.mulf %mul3A_84, %get3A_45 : vector<16xf32>
        %exp3A_86 = math.exp %mul3A_85 : vector<16xf32>
        %add3A_87 = arith.constant 1.000000e+00 : f32
        %add3A_88 = vector.broadcast %add3A_87 : f32 to vector<16xf32>
        %add3A_89 = arith.addf %add3A_88, %exp3A_86 : vector<16xf32>
        %div3A_90 = arith.constant 2.000000e+00 : f32
        %div3A_91 = vector.broadcast %div3A_90 : f32 to vector<16xf32>
        %div3A_92 = arith.divf %div3A_91, %add3A_89 : vector<16xf32>
        %sub3A = arith.constant 1.000000e+00 : f32
        %sub3A_93 = vector.broadcast %sub3A : f32 to vector<16xf32>
        %sub3A_94 = arith.subf %div3A_92, %sub3A_93 : vector<16xf32>
        %mul3A_95 = arith.mulf %div3A_72, %get3A_55 : vector<16xf32>
        %mul3A_96 = arith.mulf %div3A_62, %sub3A_94 : vector<16xf32>
        %add3A_97 = arith.addf %mul3A_95, %mul3A_96 : vector<16xf32>
        %mul3A_98 = arith.constant -2.000000e+00 : f32
        %mul3A_99 = vector.broadcast %mul3A_98 : f32 to vector<16xf32>
        %mul3A_100 = arith.mulf %mul3A_99, %add3A_97 : vector<16xf32>
        %exp3A_101 = math.exp %mul3A_100 : vector<16xf32>
        %add3A_102 = arith.constant 1.000000e+00 : f32
        %add3A_103 = vector.broadcast %add3A_102 : f32 to vector<16xf32>
        %add3A_104 = arith.addf %add3A_103, %exp3A_101 : vector<16xf32>
        %div3A_105 = arith.constant 2.000000e+00 : f32
        %div3A_106 = vector.broadcast %div3A_105 : f32 to vector<16xf32>
        %div3A_107 = arith.divf %div3A_106, %add3A_104 : vector<16xf32>
        %sub3A_108 = arith.constant 1.000000e+00 : f32
        %sub3A_109 = vector.broadcast %sub3A_108 : f32 to vector<16xf32>
        %sub3A_110 = arith.subf %div3A_107, %sub3A_109 : vector<16xf32>
        %swap3A = arith.index_cast %scan3A_30 : i32 to index
        %swap3A_111 = arith.constant 0 : index
        %swap3A_112 = tpu.vector_load %arg14[%swap3A, %swap3A_111] {strides = array<i32>} : memref<256x16xf32, #tpu.memory_space<vmem>>, vector<1x16xf32>,
        %swap3A_113 = vector.shape_cast %swap3A_112 : vector<1x16xf32> to vector<16xf32>
        %swap3A_114 = vector.shape_cast %add3A_97 : vector<16xf32> to vector<1x16xf32>
        tpu.vector_store %arg14[%swap3A, %swap3A_111], %swap3A_114 {strides = array<i32>} : memref<256x16xf32, #tpu.memory_space<vmem>>, vector<1x16xf32>,
        %mul3A_115 = arith.mulf %div3A_82, %sub3A_110 : vector<16xf32>
        %swap3A_116 = arith.index_cast %scan3A_30 : i32 to index
        %swap3A_117 = arith.constant 0 : index
        %swap3A_118 = tpu.vector_load %arg15[%swap3A_116, %swap3A_117] {strides = array<i32>} : memref<256x16xf32, #tpu.memory_space<vmem>>, vector<1x16xf32>,
        %swap3A_119 = vector.shape_cast %swap3A_118 : vector<1x16xf32> to vector<16xf32>
        %swap3A_120 = vector.shape_cast %mul3A_115 : vector<16xf32> to vector<1x16xf32>
        tpu.vector_store %arg15[%swap3A_116, %swap3A_117], %swap3A_120 {strides = array<i32>} : memref<256x16xf32, #tpu.memory_space<vmem>>, vector<1x16xf32>,
        %scan3A_121 = arith.constant 0 : i32
        scf.yield %scan3A_121 : i32
      }
      %scan3A_22 = arith.constant 256 : i32
      %mul3A_23 = arith.constant 256 : i32
      %mul3A_24 = arith.muli %arg1, %mul3A_23 : i32
      "tpu.region"() ({
        %run_scoped3A = tpu.sem_alloc : memref<!tpu.dma_semaphore, #tpu.memory_space<semaphore_mem>>
        %dma_start3A = arith.constant 0 : i32
        %dma_start3A_30 = tpu.memref_slice %arg17[%mul3A_24, %dma_start3A] : memref<4096x16xf32, #tpu.memory_space<vmem_shared>> -> memref<256x16xf32, #tpu.memory_space<vmem_shared>>
        %dma_start3A_31 = arith.constant 0 : i32
        %dma_start3A_32 = tpu.memref_slice %arg17[%mul3A_24, %dma_start3A_31] : memref<4096x16xf32, #tpu.memory_space<vmem_shared>> -> memref<256x16xf32, #tpu.memory_space<vmem_shared>>
        tpu.enqueue_dma source(%arg15 : memref<256x16xf32, #tpu.memory_space<vmem>>) target(%dma_start3A_32 : memref<256x16xf32, #tpu.memory_space<vmem_shared>>) target_semaphore(%run_scoped3A : memref<!tpu.dma_semaphore, #tpu.memory_space<semaphore_mem>>)
        %dma_wait3A = arith.constant 0 : i32
        %dma_wait3A_33 = tpu.memref_slice %arg17[%mul3A_24, %dma_wait3A] : memref<4096x16xf32, #tpu.memory_space<vmem_shared>> -> memref<256x16xf32, #tpu.memory_space<vmem_shared>>
        %dma_wait3A_34 = arith.constant 0 : i32
        %dma_wait3A_35 = tpu.memref_slice %arg17[%mul3A_24, %dma_wait3A_34] : memref<4096x16xf32, #tpu.memory_space<vmem_shared>> -> memref<256x16xf32, #tpu.memory_space<vmem_shared>>
        tpu.wait_dma2 semaphore(%run_scoped3A : memref<!tpu.dma_semaphore, #tpu.memory_space<semaphore_mem>>) src(%arg15 : memref<256x16xf32, #tpu.memory_space<vmem>>) dst(%dma_wait3A_35 : memref<256x16xf32, #tpu.memory_space<vmem_shared>>)
        tpu.yield
      }) : () -> ()
      %mul3A_25 = arith.constant 256 : i32
      %mul3A_26 = arith.muli %arg1, %mul3A_25 : i32
      "tpu.region"() ({
        %run_scoped3A = tpu.sem_alloc : memref<!tpu.dma_semaphore, #tpu.memory_space<semaphore_mem>>
        %dma_start3A = arith.constant 0 : i32
        %dma_start3A_30 = tpu.memref_slice %arg7[%arg0, %scan3A_6, %mul3A_26, %dma_start3A] : memref<2x16x4096x16xf32, #tpu.memory_space<hbm>> -> memref<1x1x256x16xf32, #tpu.memory_space<hbm>>
        %dma_start3A_31 = tpu.memref_squeeze %dma_start3A_30 : memref<1x1x256x16xf32, #tpu.memory_space<hbm>> -> memref<256x16xf32, #tpu.memory_space<hbm>>
        %dma_start3A_32 = arith.constant 0 : i32
        %dma_start3A_33 = tpu.memref_slice %arg7[%arg0, %scan3A_6, %mul3A_26, %dma_start3A_32] : memref<2x16x4096x16xf32, #tpu.memory_space<hbm>> -> memref<1x1x256x16xf32, #tpu.memory_space<hbm>>
        %dma_start3A_34 = tpu.memref_squeeze %dma_start3A_33 : memref<1x1x256x16xf32, #tpu.memory_space<hbm>> -> memref<256x16xf32, #tpu.memory_space<hbm>>
        tpu.enqueue_dma source(%arg15 : memref<256x16xf32, #tpu.memory_space<vmem>>) target(%dma_start3A_34 : memref<256x16xf32, #tpu.memory_space<hbm>>) target_semaphore(%run_scoped3A : memref<!tpu.dma_semaphore, #tpu.memory_space<semaphore_mem>>)
        %dma_wait3A = arith.constant 0 : i32
        %dma_wait3A_35 = tpu.memref_slice %arg7[%arg0, %scan3A_6, %mul3A_26, %dma_wait3A] : memref<2x16x4096x16xf32, #tpu.memory_space<hbm>> -> memref<1x1x256x16xf32, #tpu.memory_space<hbm>>
        %dma_wait3A_36 = tpu.memref_squeeze %dma_wait3A_35 : memref<1x1x256x16xf32, #tpu.memory_space<hbm>> -> memref<256x16xf32, #tpu.memory_space<hbm>>
        %dma_wait3A_37 = arith.constant 0 : i32
        %dma_wait3A_38 = tpu.memref_slice %arg7[%arg0, %scan3A_6, %mul3A_26, %dma_wait3A_37] : memref<2x16x4096x16xf32, #tpu.memory_space<hbm>> -> memref<1x1x256x16xf32, #tpu.memory_space<hbm>>
        %dma_wait3A_39 = tpu.memref_squeeze %dma_wait3A_38 : memref<1x1x256x16xf32, #tpu.memory_space<hbm>> -> memref<256x16xf32, #tpu.memory_space<hbm>>
        tpu.wait_dma2 semaphore(%run_scoped3A : memref<!tpu.dma_semaphore, #tpu.memory_space<semaphore_mem>>) src(%arg15 : memref<256x16xf32, #tpu.memory_space<vmem>>) dst(%dma_wait3A_39 : memref<256x16xf32, #tpu.memory_space<hbm>>)
        tpu.yield
      }) : () -> ()
      %barrier3A_27 = arith.constant 0 : index
      tpu.barrier barrier_id(%barrier3A_27)
      "tpu.region"() ({
        %run_scoped3A = tpu.sem_alloc : memref<!tpu.dma_semaphore, #tpu.memory_space<semaphore_mem>>
        tpu.enqueue_dma source(%arg17 : memref<4096x16xf32, #tpu.memory_space<vmem_shared>>) target(%arg8 : memref<4096x16xf32, #tpu.memory_space<vmem>>) target_semaphore(%run_scoped3A : memref<!tpu.dma_semaphore, #tpu.memory_space<semaphore_mem>>)
        tpu.wait_dma2 semaphore(%run_scoped3A : memref<!tpu.dma_semaphore, #tpu.memory_space<semaphore_mem>>) src(%arg17 : memref<4096x16xf32, #tpu.memory_space<vmem_shared>>) dst(%arg8 : memref<4096x16xf32, #tpu.memory_space<vmem>>)
        tpu.yield
      }) : () -> ()
      %barrier3A_28 = arith.constant 0 : index
      tpu.barrier barrier_id(%barrier3A_28)
      %scan3A_29 = arith.constant 0 : i32
      scf.yield %scan3A_29 : i32
    }
    %scan3A_5 = arith.constant 16 : i32
    return
  }
}

module attributes {stable_mosaic.version = 14 : i64} {
  func.func @_xproj_body(%arg0: i32, %arg1: memref<512x256xf32, #tpu.memory_space<vmem>>, %arg2: memref<256x2048xf32, #tpu.memory_space<vmem>>, %arg3: memref<512x2048xf32, #tpu.memory_space<vmem>>) attributes {dimension_semantics = [#tpu.dimension_semantics<arbitrary>], iteration_bounds = array<i64: 8>, scalar_prefetch = 0 : i64, scratch_operands = 0 : i64, tpu.core_type = #tpu.core_type<tc>, window_params = [{pipeline_mode = #tpu.pipeline_mode<synchronous>, transform_indices = @transform_0, window_bounds = array<i64: 512, 256>}, {transform_indices = @transform_1, window_bounds = array<i64: 256, 2048>}, {transform_indices = @transform_2, window_bounds = array<i64: 512, 2048>}]} {
    %get3A = arith.constant 0 : index
    %get3A_0 = arith.constant 0 : index
    %get3A_1 = vector.load %arg1[%get3A, %get3A_0] : memref<512x256xf32, #tpu.memory_space<vmem>>, vector<512x256xf32>
    %get3A_2 = arith.constant 0 : index
    %get3A_3 = arith.constant 0 : index
    %get3A_4 = vector.load %arg2[%get3A_2, %get3A_3] : memref<256x2048xf32, #tpu.memory_space<vmem>>, vector<256x2048xf32>
    %dot_general3A = arith.constant dense<0.000000e+00> : vector<512x2048xf32>
    %dot_general3A_5 = tpu.matmul %get3A_1, %get3A_4, %dot_general3A {dimension_numbers = #tpu.dot_dimension_numbers<[1], [0], [0], [1], [0, 0, 1, 1], [], []>, transpose_lhs_hint = false} : vector<512x256xf32>, vector<256x2048xf32>, vector<512x2048xf32> -> vector<512x2048xf32>
    %swap3A = arith.constant 0 : index
    %swap3A_6 = arith.constant 0 : index
    %swap3A_7 = vector.load %arg3[%swap3A, %swap3A_6] : memref<512x2048xf32, #tpu.memory_space<vmem>>, vector<512x2048xf32>
    tpu.vector_store %arg3[%swap3A, %swap3A_6], %dot_general3A_5 {strides = array<i32>} : memref<512x2048xf32, #tpu.memory_space<vmem>>, vector<512x2048xf32>,
    return
  }
  func.func @transform_0(%arg0: i32) -> (i32, i32) {
    %c0_i32 = arith.constant 0 : i32
    %c0_i32_0 = arith.constant 0 : i32
    %c0_i32_1 = arith.constant 0 : i32
    return %c0_i32, %c0_i32_0 : i32, i32
  }
  func.func @transform_1(%arg0: i32) -> (i32, i32) {
    %c0_i32 = arith.constant 0 : i32
    %c0_i32_0 = arith.constant 0 : i32
    return %c0_i32, %arg0 : i32, i32
  }
  func.func @transform_2(%arg0: i32) -> (i32, i32) {
    %c0_i32 = arith.constant 0 : i32
    %c0_i32_0 = arith.constant 0 : i32
    return %c0_i32, %arg0 : i32, i32
  }
}

</mosaic_0001>

<sc_bundles>
// kernel: gather_offload_async_start.1
scs
__scs_entry_jumppad:
0x0: {  	(pc) =	sbr.rel $0x88, $3  }
0x1: {  	(tag) =	ssettag $0x0;
	lr =	simm.s32 $0x1  }
0x2: {  	[smem:$0x3F9B] =	sst lr;
	_ =	strace $0xD0000000  }
0x3: {  	_ = 	snop  }
0x4: {  	_ = 	snop  }
0x5: {  	_ = 	snop  }
0x6: {  	_ = 	snop  }
0x7: {  	_ = 	snop  }
__scs_overlays_trampoline_lowered:
0x8: {  	[smem:$0x3FAA] =	sst s0  }
0x9: {  	[smem:$0x3FAB] =	sst s1  }
0xa: {  	[smem:$0x3FAC] =	sst s2  }
0xb: {  	[smem:$0x3FAD] =	sst s3  }
0xc: {  	[smem:$0x3FAE] =	sst s4  }
0xd: {  	[smem:$0x3FAF] =	sst s5  }
0xe: {  	[smem:$0x3FB0] =	sst s6  }
0xf: {  	[smem:$0x3FB1] =	sst s7  }
0x10: {  	[smem:$0x3FB2] =	sst s8  }
0x11: {  	[smem:$0x3FB3] =	sst s9;
	s0 =	simm.s32 @!p0 $0x0  }
0x12: {  	s1 =	sld [smem:$0x3F99];
	s0 =	simm.s32 @p0 $0x1  }
0x13: {  	[smem:$0x3FB4] =	sst s0;
	s0 =	simm.s32 @!p1 $0x0  }
0x14: {  	s2 =	sld [smem:$0x3F98];
	s0 =	simm.s32 @p1 $0x1  }
0x15: {  	[smem:$0x3FB5] =	sst s0;
	s0 =	simm.s32 @!p2 $0x0  }
0x16: {  	s3 =	sld [smem:$0x3FDB];
	s0 =	simm.s32 @p2 $0x1  }
0x17: {  	s4 =	simm.s32 $0x1BF5;
	[smem:$0x3FB7] =	sst s0  }
0x18: {  	s0 =	sld [smem:$0x3F9A];
	_ =	swait.ge [sflag:s4], $0x0  }
0x19: {  	s7 =	sld [smem:$0x3F9B]  }
0x1a: {  	s8 =	sadd.s32 $0xFFFFE003, lr  }
0x1b: {  	s9 =	sadd.s32 $0xFFFFFEF7, lr;
	s5 =	simm.s32 $0xFFFFFFFF;
	p2 =	slt.u32 s8, $0xFFFFF086  }
0x1c: {  	p1 =	slt.u32 s9, $0xF7A;
	s5 =	simm.s32 @!p2 $0x0  }
0x1d: {  	s5 =	simm.s32 @p1 $0x1;
	p0 =	seq.s32 s7, s2  }
0x1e: {  	s7 =	smul.u32 @!p0 $0xF7A, s2;
	p2 =	seq.s32 @!p0 s5, $0x0  }
0x1f: {  	s9 =	smul.u32 $0xF7A, s1;
	s8 =	simm.s32 @!p0 $0x1BF5;
	p2 =	por !p2, p0  }
0x20: {  	[sflag:s8] =	ssyncset.s32 @!p0 $0xFFFFF086;
	s6 =	sadd.s32 @!p0 s3, s7;
	s7 =	simm.s32 @!p0 $0x108  }
0x21: {  	s3 =	sadd.s32 s3, s9;
	s6 =	sadd.s32 @!p0 $0x88, s6;
	s7 =	simm.s32 @p2 $0x1082  }
0x22: {  	[simem:s7], [sflag:s8] =	dma.local @!p0 [hbm:s6], $0xF7A  }
0x23: {  	s9 =	sor.u32 $0xD0000000, s2;
	s6 =	simm.s32 $0x108;
	_ =	swait.ge @!p0 [sflag:s8], $0x0  }
0x24: {  	s3 =	sadd.s32 $0x88, s3;
	s6 =	simm.s32 @!p1 $0x1082;
	[sflag:s4] =	ssyncset.s32 $0xFFFFF086  }
0x25: {  	[simem:s6], [sflag:s4] =	dma.local [hbm:s3], $0xF7A  }
0x26: {  	[smem:$0x3F9B] =	sst s1;
	(tag) =	ssettag s2;
	_ =	strace s9  }
0x27: {  	s1 =	sld [smem:$0x3FAB]  }
0x28: {  	s2 =	sld [smem:$0x3FAC]  }
0x29: {  	s4 =	sld [smem:$0x3FAE]  }
0x2a: {  	p0 =	seq.s32 s5, $0x0;
	s5 =	sld [smem:$0x3FAF]  }
0x2b: {  	s6 =	sld [smem:$0x3FB0]  }
0x2c: {  	s7 =	sld [smem:$0x3FB1]  }
0x2d: {  	s3 =	simm.s32 $0x108;
	s8 =	sld [smem:$0x3FB2]  }
0x2e: {  	s3 =	simm.s32 @!p0 $0x1082;
	s9 =	sld [smem:$0x3FB3]  }
0x2f: {  	lr =	sadd.s32 s0, s3;
	s0 =	sld [smem:$0x3FAA]  }
0x30: {  	s3 =	sld [smem:$0x3FAD]  }
0x31: {  	[smem:$0x3FB6] =	sst s10  }
0x32: {  	s10 =	sld [smem:$0x3FB4];
	_ =	sdelay $0x3  }
0x33: {  	p0 =	seq.s32 s10, $0x1;
	s10 =	sld [smem:$0x3FB6];
	_ =	sdelay $0x3  }
0x34: {  	[smem:$0x3FB6] =	sst s10  }
0x35: {  	s10 =	sld [smem:$0x3FB5];
	_ =	sdelay $0x3  }
0x36: {  	p1 =	seq.s32 s10, $0x1;
	s10 =	sld [smem:$0x3FB6];
	_ =	sdelay $0x3  }
0x37: {  	[smem:$0x3FB6] =	sst s10  }
0x38: {  	s10 =	sld [smem:$0x3FB7]  }
0x39: {  	_ = 	snop;
	(pc) =	sbr.ind lr, $3  }
0x3a: {  	_ = 	snop  }
0x3b: {  	_ = 	snop  }
0x3c: {  	p2 =	seq.s32 s10, $0x1;
	s10 =	sld [smem:$0x3FB6]  }
0x3d: {  	_ =	shalt  }
0x3e: {  	_ =	shalt  }
0x3f: {  	_ =	shalt  }
0x40: {  	_ =	shalt  }
0x41: {  	_ =	shalt  }
0x42: {  	_ =	shalt  }
0x43: {  	_ =	shalt  }
0x44: {  	_ =	shalt  }
0x45: {  	_ =	shalt  }
0x46: {  	_ =	shalt  }
0x47: {  	_ =	shalt  }
0x48: {  	_ =	shalt  }
0x49: {  	_ =	shalt  }
0x4a: {  	_ =	shalt  }
0x4b: {  	_ =	shalt  }
0x4c: {  	_ =	shalt  }
0x4d: {  	_ =	shalt  }
0x4e: {  	_ =	shalt  }
0x4f: {  	_ =	shalt  }
0x50: {  	_ =	shalt  }
0x51: {  	_ =	shalt  }
0x52: {  	_ =	shalt  }
0x53: {  	_ =	shalt  }
0x54: {  	_ =	shalt  }
0x55: {  	_ =	shalt  }
0x56: {  	_ =	shalt  }
0x57: {  	_ =	shalt  }
0x58: {  	_ =	shalt  }
0x59: {  	_ =	shalt  }
0x5a: {  	_ =	shalt  }
0x5b: {  	_ =	shalt  }
0x5c: {  	_ =	shalt  }
0x5d: {  	_ =	shalt  }
0x5e: {  	_ =	shalt  }
0x5f: {  	_ =	shalt  }
0x60: {  	_ =	shalt  }
0x61: {  	_ =	shalt  }
0x62: {  	_ =	shalt  }
0x63: {  	_ =	shalt  }
0x64: {  	_ =	shalt  }
0x65: {  	_ =	shalt  }
0x66: {  	_ =	shalt  }
0x67: {  	_ =	shalt  }
0x68: {  	_ =	shalt  }
0x69: {  	_ =	shalt  }
0x6a: {  	_ =	shalt  }
0x6b: {  	_ =	shalt  }
0x6c: {  	_ =	shalt  }
0x6d: {  	_ =	shalt  }
0x6e: {  	_ =	shalt  }
0x6f: {  	_ =	shalt  }
0x70: {  	_ =	shalt  }
0x71: {  	_ =	shalt  }
0x72: {  	_ =	shalt  }
0x73: {  	_ =	shalt  }
0x74: {  	_ =	shalt  }
0x75: {  	_ =	shalt  }
0x76: {  	_ =	shalt  }
0x77: {  	_ =	shalt  }
0x78: {  	_ =	shalt  }
0x79: {  	_ =	shalt  }
0x7a: {  	_ =	shalt  }
0x7b: {  	_ =	shalt  }
0x7c: {  	_ =	shalt  }
0x7d: {  	_ =	shalt  }
0x7e: {  	_ =	shalt  }
0x7f: {  	_ =	shalt  }
0x80: {  	_ =	shalt  }
0x81: {  	_ =	shalt  }
0x82: {  	_ =	shalt  }
0x83: {  	_ =	shalt  }
0x84: {  	_ =	shalt  }
0x85: {  	_ =	shalt  }
0x86: {  	_ =	shalt  }
0x87: {  	_ =	shalt  }
.Lfunc_end0:
.L_simem_size_0:
called_computation.2_lowered:
.L_overlay_start_0:
0x88: {  	s2 =	sld [smem:$0x3FD9]  }
0x89: {  	s3 =	sld [smem:$0x3FFE];
	_ =	sdelay $0x1  }
0x8a: {  	s1 =	srdreg.scid  }
0x8b: {  	s0 =	sand.u32 $0x1, s1  }
0x8c: {  	s17 =	sshll.u32 s0, $0xA;
	s2 =	sadd.s32 s3, s2  }
0x8d: {  	s2 =	sadd.s32 s2, s17  }
0x8e: {  	[smem:$0x3FC2] =	sst s2  }
0x8f: {  	_ = 	snop  }
0x90: {  	s2 =	sld [smem:$0x3FC4]  }
0x91: {  	s18 =	sld [smem:$0x3FD0];
	(tm) =	ssettm $0x1  }
0x92: {  	s4 =	sld [smem:$0x3FFB];
	_ =	sdelay $0x3  }
0x93: {  	_ =	strace s4  }
0x94: {  	s4 =	sld [smem:$0x3FFC];
	_ =	sdelay $0x3  }
0x95: {  	_ =	strace s4  }
0x96: {  	s4 =	sld [smem:$0x3FFD];
	_ =	sdelay $0x3  }
0x97: {  	_ =	strace s4  }
0x98: {  	_ =	strace $0x8FFFFFFF  }
0x99: {  	s19 =	sld [smem:$0x3FDB];
	_ =	sdelay $0x1  }
0x9a: {  	s5 =	simm.s32 $_scs_section_size  }
0x9b: {  	s6 =	simm.s32 $_size__tile_overlayer_lowered;
	s7 =	simm.s32 $_tile_overlayer_lowered  }
0x9c: {  	s22 =	simm.s32 $0x1BFF;
	s21 =	sshll.u32 s7, $0x1;
	s4 =	sadd.s32 s5, s19  }
0x9d: {  	s8 =	simm.s32 $0x0;
	s20 =	sshll.u32 s6, $0x1;
	s6 =	sadd.s32 s21, s4  }
0x9e: {  	[timem:s8], [sflag:s22] =	dma.local [hbm:s6], s20  }
0x9f: {  	_ =	swait.ge [sflag:s22], s20  }
0xa0: {  	s5 =	ssub.s32 $0x0, s20;
	[sflag:s22] =	ssyncset.done $0x0  }
0xa1: {  	[sflag:s22] =	ssyncadd.s32 s5;
	_ =	sdelay $0x1  }
0xa2: {  	s23 =	simm.s32 $0x1B8B  }
0xa3: {  	_ =	swait.ge [sflag:s23], $0x1  }
0xa4: {  	[sflag:s23] =	ssyncset.done $0x0  }
0xa5: {  	s25 =	simm.s32 $0x1B8E;
	s24 =	sld [smem:$0x3FFE];
	[sflag:s23] =	ssyncadd.s32 $0xFFFFFFFF  }
0xa6: {  	s26 =	simm.s32 $execute0_lowered;
	[smem:$0x3FD2] =	sst s25  }
0xa7: {  	s6 =	sshll.u32 s26, $0x1;
	_ =	strace $0x80000049;
	[dreg:$0x1] =	wrdreg $0xFFFFFFFF  }
0xa8: {  	s28 =	simm.s32 $_size_execute0_lowered;
	s4 =	sadd.s32 s4, s6;
	[dreg:$0x0] =	wrdreg $0x0  }
0xa9: {  	s6 =	sshll.u32 s28, $0x1;
	[dreg:$0x2] =	wrdreg s4  }
0xaa: {  	[dreg:$0x3] =	wrdreg s6  }
0xab: {  	[dreg:$0x4] =	wrdreg $0xC0  }
0xac: {  	_ =	task [dreg:s8], $0x5FFFF  }
0xad: {  	[dreg:$0x1] =	wrdreg $0xFFFFFFFF  }
0xae: {  	[dreg:$0x0] =	wrdreg $0x60  }
0xaf: {  	[dreg:$0x2] =	wrdreg s2  }
0xb0: {  	[dreg:$0x3] =	wrdreg s18  }
0xb1: {  	[dreg:$0x4] =	wrdreg s24  }
0xb2: {  	[dreg:$0x5] =	wrdreg $0x9  }
0xb3: {  	_ =	task.clear_ibuf [dreg:s8], $0x6FFFF;
	_ =	strace $0x90000049  }
0xb4: {  	s29 =	simm.s32 $0x9;
	_ =	strace $0x8000004B  }
0xb5: {  	_ =	swait.ge [sflag:s29], $0x1  }
0xb6: {  	[sflag:s29] =	ssyncadd.s32 $0xFFFFFFFF  }
0xb7: {  	_ =	strace $0x9000004B  }
0xb8: {  	_ =	sfence  }
0xb9: {  	s30 =	sld [smem:$0x0];
	_ =	sdelay $0x2  }
0xba: {  	s31 =	sshll.u32 s1, $0xD;
	s1 =	sshrl.u32 s1, $0x2  }
0xbb: {  	s3 =	sand.u32 $0x4000, s31;
	s1 =	sadd.s32 s1, s30  }
0xbc: {  	s0 =	sor.u32 s3, s0;
	s1 =	sshll.u32 s1, $0x11  }
0xbd: {  	s0 =	sor.u32 s1, s0  }
0xbe: {  	s0 =	sadd.s32 $0x8F2B, s0  }
0xbf: {  	[sflag:s0] =	ssyncadd.remote.s32 $0x1  }
0xc0: {  	_ =	sfence.sel $0xFFFF  }
0xc1: {  	[dreg:$0x0] =	wrdreg $0xFFFFFFFF;
	(pc) =	sbr.abs _section_cstart, $3  }
0xc2: {  	[dreg:$0x1] =	wrdreg $0xFFFFFFFF  }
0xc3: {  	_ =	task.clear_ibuf [dreg:s8], $0x2FFFF;
	_ =	strace $0x9FFFFFFF  }
0xc4: {  	(tm) =	ssettm $0x7FFFFFFF  }
0xc5: {  	_ =	shalt  }
tec
execute0_lowered:
.L_overlay_start_1:
0x0: {  	(tag) =	ssettag $0x1  }
0x1: {  	s2 =	rddreg [dreg:$0x0]  }
0x2: {  	s1 =	srdreg.scid;
	s3 =	rddreg [dreg:$0x1]  }
0x3: {  	s0 =	stileid.u32;
	s5 =	rddreg [dreg:$0x2]  }
0x4: {  	s9 =	simm.s32 $0x1;
	s10 =	simm.s32 $0x3;
	s1 =	sshll.u32 s1, $0x8  }
0x5: {  	s13 =	simm.s32 $0x0;
	s4 =	sshll.u32 s0, $0x9;
	s6 =	sand.u32 $0x100, s1  }
0x6: {  	s12 =	simm.s32 $0x0;
	s5 =	sadd.s32 $0x1800, s5;
	s4 =	sor.u32 s4, s6  }
0x7: {  	s1 =	rddreg [dreg:$0x3];
	_ =	strace $0x8000004A;
	s8 =	ssub.s32 $0x4000, s4  }
.Ltmp0:
0x8: {  	s6 =	simm.s32 $0x1;
	s7 =	sand.u32 $0x1F00, s8;
	(pc) =	sbr.rel .LBB2_1-.Ltmp0, $4  }
0x9: {  	[sflag:s6] =	ssyncpa.u1 $0x0;
	s11 =	smov.u32 s4;
	p0 =	sne.s32 s7, $0x0  }
0xa: {  	s8 =	sshrl.u32 s8, $0xD;
	s7 =	simm.s32 $0x2;
	s9 =	simm.s32 @!p0 $0x0  }
0xb: {  	[sflag:s7] =	ssyncpa.u1 $0x0;
	p0 =	por $0x0, $0x0;
	s8 =	sadd.s32 s9, s8  }
0xc: {  	vm0 =	vmmov $0xffff;
	[sflag:s10] =	ssyncpa.u1 $0x0;
	s10 =	simm.s32 $0x0;
	s9 =	sadd.s32 $0x1, s8  }
.LBB2_4:
0xd: {  	v2 =	vnsel vm1, $0x0, v2  }
0xe: {  	vm1 =	vgt.s32 v0, $0x0;
	v2 =	vmin.u32 v2, $0x3FFF  }
0xf: {  	v0 =	vnsel vm1, $0x0, v0  }
0x10: {  	v0 =	vmin.u32 v0, $0x3FFF  }
0x11: {  	[tilespmem:s15], [sflag:$0x1] =	stream.indirect_vreg.gather [hbm4b:s2+s10], $0x1, v1, vm0, $0x4038;
	[tilespmem:$0x400] =	vst v63  }
0x12: {  	(ifvalue) =	ssetifvalue $0x7FFFFFFF  }
0x13: {  	[tilespmem:s16], [sflag:$0x1] =	stream.indirect_vreg.gather [hbm4b:s2+s10], $0x1, v2, vm0, $0x4038;
	[tilespmem:$0x400] =	vst v63  }
0x14: {  	s29 =	sadd.s32 $0x10, s16;
	(ifvalue) =	ssetifvalue $0x7FFFFFFF  }
0x15: {  	[tilespmem:s29], [sflag:$0x1] =	stream.indirect_vreg.gather [hbm4b:s2+s10], $0x1, v0, vm0, $0x4038;
	[tilespmem:$0x400] =	vst v63  }
0x16: {  	_ =	swait.ge [sflag:s6], $0x100  }
0x17: {  	s30 =	sshrl.u32 s13, $0x3;
	[sflag:s6] =	ssyncset.done $0x0  }
0x18: {  	s31 =	sand.u32 $0x7, s13;
	s15 =	sadd.s32 s5, s30;
	[sflag:s6] =	ssyncadd.s32 $0xFFFFFF00  }
0x19: {  	[hbm4b:s15+s31] =	stream.linear.scatter [tilespmem:s14], [sflag:$0x3], $0x100, $0x38;
	[tilespmem:$0x400] =	vst v63  }
.LBB2_5:
0x1a: {  	s15 =	sadd.s32 $0x2000, s11  }
0x1b: {  	p2 =	sgt.s32 s15, $0x3FFF  }
0x1c: {  	s15 =	smov.u32 @p2 s4;
	p2 =	sne.s32 s12, s9  }
.Ltmp1:
0x1d: {  	p1 =	slt.u32 s12, $0x2;
	(pc) =	sbr.rel @!p2 .LBB2_6-.Ltmp1, $4  }
0x1e: {  	s14 =	simm.s32 @!p1 $0x3  }
0x1f: {  	s16 =	sadd.s32 $0x1, s12;
	_ =	swait.ge @!p1 [sflag:s14], $0x100  }
0x20: {  	s13 =	smov.u32 s11;
	p0 =	por !p0, !p0;
	[sflag:s14] =	ssyncset.done @!p1 $0x0  }
0x21: {  	s12 =	smov.u32 s16;
	s11 =	smov.u32 s15;
	[sflag:s14] =	ssyncadd.s32 @!p1 $0xFFFFFF00  }
.LBB2_1:
0x22: {  	p1 =	sge.u32 s12, s8  }
0x23: {  	s14 =	sxor.u32 @!p1 $0xFFFFFFFF, s12  }
0x24: {  	s31 =	sadd.s32 $0xFFFFFFFF, s12;
	s15 =	sshrl.u32 @!p1 s11, $0x3;
	s14 =	sshll.u32 @!p1 s14, $0x8  }
0x25: {  	s16 =	sand.u32 @!p1 $0x7, s11;
	s15 =	sadd.s32 @!p1 s3, s15;
	s14 =	sand.u32 @!p1 $0x100, s14  }
0x26: {  	[tilespmem:s14], [sflag:$0x2] =	stream.linear.gather @!p1 [hbm4b:s15+s16], $0x100, $0x38;
	[tilespmem:$0x400] =	vst v63  }
0x27: {  	p1 =	sge.u32 s31, s8  }
.Ltmp2:
0x28: {  	_ = 	snop;
	(pc) =	sbr.rel @p1 .LBB2_5-.Ltmp2, $1  }
0x29: {  	_ =	sdelay $0x3  }
0x2a: {  	s14 =	simm.s32 $0x1  }
0x2b: {  	_ =	swait.ge [sflag:s7], $0x100;
	s14 =	simm.s32 @!p0 $0x0  }
0x2c: {  	[sflag:s7] =	ssyncset.done $0x0;
	s14 =	sshll.u32 s14, $0x8  }
0x2d: {  	[sflag:s7] =	ssyncadd.s32 $0xFFFFFF00;
	(ifvalue) =	ssetifvalue $0x7FFFFFFF;
	v0 =	vld.msk [tilespmem:s14+$0x0 ss:$0x1], $0xffff;
	_ =	sdelay $0x4  }
0x2e: {  	s15 =	sadd.s32 $0x10, s14;
	vm1 =	vgt.s32 v0, $0x0  }
0x2f: {  	v2 =	vld.msk [tilespmem:s15+$0x0 ss:$0x1], $0xffff;
	v1 =	vnsel vm1, $0x0, v0  }
0x30: {  	v1 =	vmin.u32 v1, $0x3FFF;
	_ =	sdelay $0x1  }
0x31: {  	s16 =	sshll.u32 s12, $0x8;
	s18 =	simm.s32 $0x20  }
0x32: {  	s16 =	sand.u32 $0x100, s16;
	s17 =	sadd.s32 $0x10, s15;
	s15 =	sor.u32 $0x200, s14  }
0x33: {  	s14 =	sor.u32 $0x200, s16;
	s16 =	sadd.s32 $0x10, s15;
	v0 =	vld.msk [tilespmem:s17+$0x0 ss:$0x1], $0xffff;
	vm1 =	vgt.s32 v2, $0x0;
	(ifvalue) =	ssetifvalue $0x7FFFFFFF  }
.LBB2_3:
0x34: {  	[tilespmem:s15], [sflag:$0x1] =	stream.indirect_vreg.gather [hbm4b:s2+s10], $0x1, v1, vm0, $0x4038;
	[tilespmem:$0x400] =	vst v63  }
0x35: {  	s18 =	sadd.s32 $0x10, s18  }
0x36: {  	v2 =	vnsel vm1, $0x0, v2;
	p1 =	slt.u32 s18, $0xF0  }
.Ltmp3:
0x37: {  	s15 =	smov.u32 s16;
	v1 =	vmin.u32 v2, $0x3FFF;
	(pc) =	sbr.rel @p1 .LBB2_3-.Ltmp3, $3  }
0x38: {  	_ =	sdelay $0x1  }
0x39: {  	s17 =	sadd.s32 $0x10, s17  }
0x3a: {  	vm1 =	vgt.s32 v0, $0x0;
	s16 =	sadd.s32 $0x10, s16;
	v2 =	vmov v0;
	(ifvalue) =	ssetifvalue $0x7FFFFFFF;
	v0 =	vld.msk [tilespmem:s17+$0x0 ss:$0x1], $0xffff  }
.Ltmp4:
0x3b: {  	_ = 	snop;
	(pc) =	sbr.rel .LBB2_4-.Ltmp4, $1  }
0x3c: {  	_ =	sdelay $0x3  }
.LBB2_6:
0x3d: {  	_ =	sfence.sel $0x180000  }
0x3e: {  	s2 =	simm.s32 $0x2;
	[bflag:$0x0] =	sbarrier.arrive $0xFFFF  }
0x3f: {  	s30 =	simm.s32 $0x3;
	[sflag:s2] =	ssyncpa.u1 $0x1  }
0x40: {  	s31 =	simm.s32 $0x1;
	[sflag:s30] =	ssyncpa.u1 $0x1  }
0x41: {  	[sflag:s31] =	ssyncpa.u1 $0x1  }
0x42: {  	p0 =	sne.s32 s0, $0x0;
	_ =	strace $0x9000004A  }
0x43: {  	s0 =	sadd.s32 @!p0 $0x100000, s1;
	[bflag:$0x2] =	sbarrier.arrive $0xFFFF  }
0x44: {  	[sflag:s0] =	ssyncadd.tile.s32 @!p0 $0x1;
	_ =	shalt  }
.Lfunc_end2:
_tile_overlayer_lowered:
.L_overlay_start_2:
0x45: {  	(tag) =	ssettag $0x2  }
0x46: {  	s0 =	rddreg [dreg:$0x0];
	s2 =	stileid.u32  }
0x47: {  	s1 =	rddreg [dreg:$0x1];
	p0 =	sne.s32 s2, $0x0  }
0x48: {  	s3 =	rddreg [dreg:$0x2];
	[bflag:$0x3] =	sbarrier.arrive $0xFFFF;
	s2 =	simm.s32 @!p0 $0x1C01  }
0x49: {  	[timem:s3], [sflag:s2] =	dma.local @!p0 [hbm:s0], s1  }
0x4a: {  	s0 =	simm.s32 @!p0 $0x1  }
0x4b: {  	_ =	swait.ge @!p0 [sflag:s0], s1  }
0x4c: {  	s1 =	ssub.s32 @!p0 $0x0, s1;
	[sflag:s0] =	ssyncset.done @!p0 $0x0  }
0x4d: {  	[sflag:s0] =	ssyncadd.s32 @!p0 s1  }
0x4e: {  	[bflag:$0x3] =	sbarrier.arrive $0xFFFF  }
0x4f: {  	_ =	shalt  }

// kernel: gather_offload_async_start
scs
__scs_entry_jumppad:
0x0: {  	(pc) =	sbr.rel $0x88, $3  }
0x1: {  	(tag) =	ssettag $0x0;
	lr =	simm.s32 $0x1  }
0x2: {  	[smem:$0x3F9B] =	sst lr;
	_ =	strace $0xD0000000  }
0x3: {  	_ = 	snop  }
0x4: {  	_ = 	snop  }
0x5: {  	_ = 	snop  }
0x6: {  	_ = 	snop  }
0x7: {  	_ = 	snop  }
__scs_overlays_trampoline_lowered:
0x8: {  	[smem:$0x3FAA] =	sst s0  }
0x9: {  	[smem:$0x3FAB] =	sst s1  }
0xa: {  	[smem:$0x3FAC] =	sst s2  }
0xb: {  	[smem:$0x3FAD] =	sst s3  }
0xc: {  	[smem:$0x3FAE] =	sst s4  }
0xd: {  	[smem:$0x3FAF] =	sst s5  }
0xe: {  	[smem:$0x3FB0] =	sst s6  }
0xf: {  	[smem:$0x3FB1] =	sst s7  }
0x10: {  	[smem:$0x3FB2] =	sst s8  }
0x11: {  	[smem:$0x3FB3] =	sst s9;
	s0 =	simm.s32 @!p0 $0x0  }
0x12: {  	s1 =	sld [smem:$0x3F99];
	s0 =	simm.s32 @p0 $0x1  }
0x13: {  	[smem:$0x3FB4] =	sst s0;
	s0 =	simm.s32 @!p1 $0x0  }
0x14: {  	s2 =	sld [smem:$0x3F98];
	s0 =	simm.s32 @p1 $0x1  }
0x15: {  	[smem:$0x3FB5] =	sst s0;
	s0 =	simm.s32 @!p2 $0x0  }
0x16: {  	s3 =	sld [smem:$0x3FDB];
	s0 =	simm.s32 @p2 $0x1  }
0x17: {  	s4 =	simm.s32 $0x1BF5;
	[smem:$0x3FB7] =	sst s0  }
0x18: {  	s0 =	sld [smem:$0x3F9A];
	_ =	swait.ge [sflag:s4], $0x0  }
0x19: {  	s7 =	sld [smem:$0x3F9B]  }
0x1a: {  	s8 =	sadd.s32 $0xFFFFE003, lr  }
0x1b: {  	s9 =	sadd.s32 $0xFFFFFEF7, lr;
	s5 =	simm.s32 $0xFFFFFFFF;
	p2 =	slt.u32 s8, $0xFFFFF086  }
0x1c: {  	p1 =	slt.u32 s9, $0xF7A;
	s5 =	simm.s32 @!p2 $0x0  }
0x1d: {  	s5 =	simm.s32 @p1 $0x1;
	p0 =	seq.s32 s7, s2  }
0x1e: {  	s7 =	smul.u32 @!p0 $0xF7A, s2;
	p2 =	seq.s32 @!p0 s5, $0x0  }
0x1f: {  	s9 =	smul.u32 $0xF7A, s1;
	s8 =	simm.s32 @!p0 $0x1BF5;
	p2 =	por !p2, p0  }
0x20: {  	[sflag:s8] =	ssyncset.s32 @!p0 $0xFFFFF086;
	s6 =	sadd.s32 @!p0 s3, s7;
	s7 =	simm.s32 @!p0 $0x108  }
0x21: {  	s3 =	sadd.s32 s3, s9;
	s6 =	sadd.s32 @!p0 $0x88, s6;
	s7 =	simm.s32 @p2 $0x1082  }
0x22: {  	[simem:s7], [sflag:s8] =	dma.local @!p0 [hbm:s6], $0xF7A  }
0x23: {  	s9 =	sor.u32 $0xD0000000, s2;
	s6 =	simm.s32 $0x108;
	_ =	swait.ge @!p0 [sflag:s8], $0x0  }
0x24: {  	s3 =	sadd.s32 $0x88, s3;
	s6 =	simm.s32 @!p1 $0x1082;
	[sflag:s4] =	ssyncset.s32 $0xFFFFF086  }
0x25: {  	[simem:s6], [sflag:s4] =	dma.local [hbm:s3], $0xF7A  }
0x26: {  	[smem:$0x3F9B] =	sst s1;
	(tag) =	ssettag s2;
	_ =	strace s9  }
0x27: {  	s1 =	sld [smem:$0x3FAB]  }
0x28: {  	s2 =	sld [smem:$0x3FAC]  }
0x29: {  	s4 =	sld [smem:$0x3FAE]  }
0x2a: {  	p0 =	seq.s32 s5, $0x0;
	s5 =	sld [smem:$0x3FAF]  }
0x2b: {  	s6 =	sld [smem:$0x3FB0]  }
0x2c: {  	s7 =	sld [smem:$0x3FB1]  }
0x2d: {  	s3 =	simm.s32 $0x108;
	s8 =	sld [smem:$0x3FB2]  }
0x2e: {  	s3 =	simm.s32 @!p0 $0x1082;
	s9 =	sld [smem:$0x3FB3]  }
0x2f: {  	lr =	sadd.s32 s0, s3;
	s0 =	sld [smem:$0x3FAA]  }
0x30: {  	s3 =	sld [smem:$0x3FAD]  }
0x31: {  	[smem:$0x3FB6] =	sst s10  }
0x32: {  	s10 =	sld [smem:$0x3FB4];
	_ =	sdelay $0x3  }
0x33: {  	p0 =	seq.s32 s10, $0x1;
	s10 =	sld [smem:$0x3FB6];
	_ =	sdelay $0x3  }
0x34: {  	[smem:$0x3FB6] =	sst s10  }
0x35: {  	s10 =	sld [smem:$0x3FB5];
	_ =	sdelay $0x3  }
0x36: {  	p1 =	seq.s32 s10, $0x1;
	s10 =	sld [smem:$0x3FB6];
	_ =	sdelay $0x3  }
0x37: {  	[smem:$0x3FB6] =	sst s10  }
0x38: {  	s10 =	sld [smem:$0x3FB7]  }
0x39: {  	_ = 	snop;
	(pc) =	sbr.ind lr, $3  }
0x3a: {  	_ = 	snop  }
0x3b: {  	_ = 	snop  }
0x3c: {  	p2 =	seq.s32 s10, $0x1;
	s10 =	sld [smem:$0x3FB6]  }
0x3d: {  	_ =	shalt  }
0x3e: {  	_ =	shalt  }
0x3f: {  	_ =	shalt  }
0x40: {  	_ =	shalt  }
0x41: {  	_ =	shalt  }
0x42: {  	_ =	shalt  }
0x43: {  	_ =	shalt  }
0x44: {  	_ =	shalt  }
0x45: {  	_ =	shalt  }
0x46: {  	_ =	shalt  }
0x47: {  	_ =	shalt  }
0x48: {  	_ =	shalt  }
0x49: {  	_ =	shalt  }
0x4a: {  	_ =	shalt  }
0x4b: {  	_ =	shalt  }
0x4c: {  	_ =	shalt  }
0x4d: {  	_ =	shalt  }
0x4e: {  	_ =	shalt  }
0x4f: {  	_ =	shalt  }
0x50: {  	_ =	shalt  }
0x51: {  	_ =	shalt  }
0x52: {  	_ =	shalt  }
0x53: {  	_ =	shalt  }
0x54: {  	_ =	shalt  }
0x55: {  	_ =	shalt  }
0x56: {  	_ =	shalt  }
0x57: {  	_ =	shalt  }
0x58: {  	_ =	shalt  }
0x59: {  	_ =	shalt  }
0x5a: {  	_ =	shalt  }
0x5b: {  	_ =	shalt  }
0x5c: {  	_ =	shalt  }
0x5d: {  	_ =	shalt  }
0x5e: {  	_ =	shalt  }
0x5f: {  	_ =	shalt  }
0x60: {  	_ =	shalt  }
0x61: {  	_ =	shalt  }
0x62: {  	_ =	shalt  }
0x63: {  	_ =	shalt  }
0x64: {  	_ =	shalt  }
0x65: {  	_ =	shalt  }
0x66: {  	_ =	shalt  }
0x67: {  	_ =	shalt  }
0x68: {  	_ =	shalt  }
0x69: {  	_ =	shalt  }
0x6a: {  	_ =	shalt  }
0x6b: {  	_ =	shalt  }
0x6c: {  	_ =	shalt  }
0x6d: {  	_ =	shalt  }
0x6e: {  	_ =	shalt  }
0x6f: {  	_ =	shalt  }
0x70: {  	_ =	shalt  }
0x71: {  	_ =	shalt  }
0x72: {  	_ =	shalt  }
0x73: {  	_ =	shalt  }
0x74: {  	_ =	shalt  }
0x75: {  	_ =	shalt  }
0x76: {  	_ =	shalt  }
0x77: {  	_ =	shalt  }
0x78: {  	_ =	shalt  }
0x79: {  	_ =	shalt  }
0x7a: {  	_ =	shalt  }
0x7b: {  	_ =	shalt  }
0x7c: {  	_ =	shalt  }
0x7d: {  	_ =	shalt  }
0x7e: {  	_ =	shalt  }
0x7f: {  	_ =	shalt  }
0x80: {  	_ =	shalt  }
0x81: {  	_ =	shalt  }
0x82: {  	_ =	shalt  }
0x83: {  	_ =	shalt  }
0x84: {  	_ =	shalt  }
0x85: {  	_ =	shalt  }
0x86: {  	_ =	shalt  }
0x87: {  	_ =	shalt  }
.Lfunc_end0:
.L_simem_size_0:
called_computation.1_lowered:
.L_overlay_start_0:
0x88: {  	s2 =	sld [smem:$0x3FD9]  }
0x89: {  	s3 =	sld [smem:$0x3FFE];
	_ =	sdelay $0x1  }
0x8a: {  	s1 =	srdreg.scid  }
0x8b: {  	s0 =	sand.u32 $0x1, s1  }
0x8c: {  	s17 =	sshll.u32 s0, $0xA;
	s2 =	sadd.s32 s3, s2  }
0x8d: {  	s2 =	sadd.s32 s2, s17  }
0x8e: {  	[smem:$0x3FC2] =	sst s2  }
0x8f: {  	_ = 	snop  }
0x90: {  	s2 =	sld [smem:$0x3FD0];
	(tm) =	ssettm $0x1  }
0x91: {  	s18 =	sld [smem:$0x3FFB];
	_ =	sdelay $0x3  }
0x92: {  	_ =	strace s18  }
0x93: {  	s3 =	sld [smem:$0x3FFC];
	_ =	sdelay $0x3  }
0x94: {  	_ =	strace s3  }
0x95: {  	s3 =	sld [smem:$0x3FFD];
	_ =	sdelay $0x3  }
0x96: {  	_ =	strace s3  }
0x97: {  	_ =	strace $0x8FFFFFFF  }
0x98: {  	s19 =	sld [smem:$0x3FDB];
	_ =	sdelay $0x1  }
0x99: {  	s4 =	simm.s32 $_scs_section_size  }
0x9a: {  	s5 =	simm.s32 $_size__tile_overlayer_lowered;
	s6 =	simm.s32 $_tile_overlayer_lowered  }
0x9b: {  	s22 =	simm.s32 $0x1BFF;
	s21 =	sshll.u32 s6, $0x1;
	s3 =	sadd.s32 s4, s19  }
0x9c: {  	s7 =	simm.s32 $0x0;
	s20 =	sshll.u32 s5, $0x1;
	s5 =	sadd.s32 s21, s3  }
0x9d: {  	[timem:s7], [sflag:s22] =	dma.local [hbm:s5], s20  }
0x9e: {  	_ =	swait.ge [sflag:s22], s20  }
0x9f: {  	s4 =	ssub.s32 $0x0, s20;
	[sflag:s22] =	ssyncset.done $0x0  }
0xa0: {  	[sflag:s22] =	ssyncadd.s32 s4;
	_ =	sdelay $0x1  }
0xa1: {  	s23 =	simm.s32 $0x1B8B  }
0xa2: {  	_ =	swait.ge [sflag:s23], $0x1  }
0xa3: {  	[sflag:s23] =	ssyncset.done $0x0  }
0xa4: {  	s25 =	simm.s32 $0x1B8E;
	s24 =	sld [smem:$0x3FFE];
	[sflag:s23] =	ssyncadd.s32 $0xFFFFFFFF  }
0xa5: {  	s26 =	simm.s32 $execute0_lowered;
	[smem:$0x3FD2] =	sst s25  }
0xa6: {  	s5 =	sshll.u32 s26, $0x1;
	_ =	strace $0x80000046;
	[dreg:$0x1] =	wrdreg $0xFFFFFFFF  }
0xa7: {  	s28 =	simm.s32 $_size_execute0_lowered;
	s3 =	sadd.s32 s3, s5;
	[dreg:$0x0] =	wrdreg $0x0  }
0xa8: {  	s5 =	sshll.u32 s28, $0x1;
	[dreg:$0x2] =	wrdreg s3  }
0xa9: {  	[dreg:$0x3] =	wrdreg s5  }
0xaa: {  	[dreg:$0x4] =	wrdreg $0xC0  }
0xab: {  	_ =	task [dreg:s7], $0x5FFFF  }
0xac: {  	[dreg:$0x1] =	wrdreg $0xFFFFFFFF  }
0xad: {  	[dreg:$0x0] =	wrdreg $0x60  }
0xae: {  	[dreg:$0x2] =	wrdreg s24  }
0xaf: {  	[dreg:$0x3] =	wrdreg s2  }
0xb0: {  	[dreg:$0x4] =	wrdreg $0x9  }
0xb1: {  	_ =	task.clear_ibuf [dreg:s7], $0x5FFFF;
	_ =	strace $0x90000046  }
0xb2: {  	s29 =	simm.s32 $0x9;
	_ =	strace $0x80000048  }
0xb3: {  	_ =	swait.ge [sflag:s29], $0x1  }
0xb4: {  	[sflag:s29] =	ssyncadd.s32 $0xFFFFFFFF  }
0xb5: {  	_ =	strace $0x90000048  }
0xb6: {  	_ =	sfence  }
0xb7: {  	s30 =	sld [smem:$0x0];
	_ =	sdelay $0x2  }
0xb8: {  	s31 =	sshll.u32 s1, $0xD;
	s1 =	sshrl.u32 s1, $0x2  }
0xb9: {  	s3 =	sand.u32 $0x4000, s31;
	s1 =	sadd.s32 s1, s30  }
0xba: {  	s0 =	sor.u32 s3, s0;
	s1 =	sshll.u32 s1, $0x11  }
0xbb: {  	s0 =	sor.u32 s1, s0  }
0xbc: {  	s0 =	sadd.s32 $0x8F2B, s0  }
0xbd: {  	[sflag:s0] =	ssyncadd.remote.s32 $0x1  }
0xbe: {  	_ =	sfence.sel $0xFFFF  }
0xbf: {  	[dreg:$0x0] =	wrdreg $0xFFFFFFFF;
	(pc) =	sbr.abs _section_cstart, $3  }
0xc0: {  	[dreg:$0x1] =	wrdreg $0xFFFFFFFF  }
0xc1: {  	_ =	task.clear_ibuf [dreg:s7], $0x2FFFF;
	_ =	strace $0x9FFFFFFF  }
0xc2: {  	(tm) =	ssettm $0x7FFFFFFF  }
0xc3: {  	_ =	shalt  }
tec
execute0_lowered:
.L_overlay_start_1:
0x0: {  	(tag) =	ssettag $0x1  }
0x1: {  	s7 =	rddreg [dreg:$0x0]  }
0x2: {  	s2 =	rddreg [dreg:$0x1]  }
0x3: {  	s0 =	rddreg [dreg:$0x2]  }
0x4: {  	s1 =	srdreg.scid;
	_ =	strace $0x80000047;
	s4 =	simm.s32 $0x1  }
0x5: {  	s9 =	simm.s32 $0x3;
	s11 =	simm.s32 $0x0;
	s5 =	sshll.u32 s1, $0x4  }
.Ltmp0:
0x6: {  	s1 =	stileid.u32;
	s5 =	sand.u32 $0x10, s5;
	(pc) =	sbr.rel .LBB2_1-.Ltmp0, $4  }
0x7: {  	p0 =	por $0x0, $0x0;
	s3 =	sadd.s32 $0x1800, s7;
	s6 =	sor.u32 s1, s5  }
0x8: {  	[sflag:s4] =	ssyncpa.u1 $0x0;
	s5 =	simm.s32 $0x2;
	s6 =	sshll.u32 s6, $0x9  }
0x9: {  	s7 =	sadd.s32 $0x81800, s7;
	[sflag:s5] =	ssyncpa.u1 $0x0;
	s8 =	sadd.s32 $0x200, s6  }
0xa: {  	vm0 =	vmmov $0xff;
	vm1 =	vcmask $0x3F20;
	[sflag:s9] =	ssyncpa.u1 $0x0;
	s10 =	smov.u32 s6;
	s9 =	simm.s32 $0x0  }
.LBB2_8:
0xb: {  	[hbm:s15] =	stream.linear.scatter [tilespmem:s12], [sflag:$0x3], $0x800, $0x38;
	[tilespmem:$0x10100] =	vst v63  }
.LBB2_9:
0xc: {  	p1 =	slt.u32 s9, $0x2;
	s11 =	sadd.s32 $0x80, s10  }
0xd: {  	s13 =	smov.u32 s6;
	s9 =	sadd.s32 $0x1, s9;
	p2 =	slt.s32 s11, s8  }
0xe: {  	s13 =	smov.u32 @p2 s11;
	p2 =	sne.s32 s9, $0x6  }
.Ltmp1:
0xf: {  	_ = 	snop;
	(pc) =	sbr.rel @!p2 .LBB2_10-.Ltmp1, $4  }
0x10: {  	s12 =	simm.s32 @!p1 $0x3  }
0x11: {  	_ =	swait.ge @!p1 [sflag:s12], $0x8000  }
0x12: {  	p0 =	por !p0, !p0;
	[sflag:s12] =	ssyncset.done @!p1 $0x0  }
0x13: {  	s11 =	smov.u32 s10;
	s10 =	smov.u32 s13;
	[sflag:s12] =	ssyncadd.s32 @!p1 $0xFFFF8000  }
.LBB2_1:
0x14: {  	p1 =	sgt.u32 s9, $0x3  }
0x15: {  	s12 =	sxor.u32 @!p1 $0xFFFFFFFF, s9  }
0x16: {  	s13 =	sshrl.u32 @!p1 s10, $0x3;
	s12 =	sshll.u32 @!p1 s12, $0x7  }
0x17: {  	s14 =	sand.u32 @!p1 $0x7, s10;
	s13 =	sadd.s32 @!p1 s2, s13;
	s12 =	sand.u32 @!p1 $0x80, s12  }
0x18: {  	[tilespmem:s12], [sflag:$0x2] =	stream.linear.gather @!p1 [hbm4b:s13+s14], $0x80, $0x38;
	[tilespmem:$0x10100] =	vst v63  }
0x19: {  	p1 =	seq.s32 s9, $0x0  }
0x1a: {  	p2 =	seq.s32 @!p1 s9, $0x5  }
0x1b: {  	p1 =	por p1, p2  }
.Ltmp2:
0x1c: {  	_ = 	snop;
	(pc) =	sbr.rel @p1 .LBB2_9-.Ltmp2, $1  }
0x1d: {  	_ =	sdelay $0x3  }
0x1e: {  	s12 =	simm.s32 $0x1;
	_ =	swait.ge [sflag:s5], $0x80;
	s13 =	sand.u32 $0x1, s9  }
0x1f: {  	s15 =	simm.s32 $0x0;
	s12 =	simm.s32 @!p0 $0x0;
	[sflag:s5] =	ssyncset.done $0x0  }
0x20: {  	s14 =	sshll.u32 s13, $0xF;
	s13 =	sshll.u32 s13, $0x7;
	s12 =	sshll.u32 s12, $0xF  }
0x21: {  	[sflag:s5] =	ssyncadd.s32 $0xFFFFFF80;
	s14 =	sor.u32 $0x100, s14;
	s12 =	sor.u32 $0x100, s12  }
.LBB2_3:
0x22: {  	s16 =	sshll.u32 s15, $0x4  }
0x23: {  	s16 =	sand.u32 $0x3FFFFFF0, s16  }
0x24: {  	s16 =	sadd.s32 s16, s13  }
0x25: {  	v0 =	vld.msk [tilespmem:s16+$0x0 ss:$0x1], $0xffff;
	_ =	sdelay $0x4  }
0x26: {  	vm2 =	vgt.s32 v0, $0x0  }
0x27: {  	v0 =	vnsel vm2, $0x0, v0  }
0x28: {  	v0 =	vmin.u32 v0, $0x3FFF  }
0x29: {  	s31 =	sshll.u32 s15, $0xC;
	v1 =	vshll.u32 v0, $0x5;
	v0 =	vshll.u32 v0, $0x4  }
0x2a: {  	s16 =	sand.u32 $0x3FFFF000, s31;
	v1 =	vand.u32 $0x7FF00, v1;
	v0 =	vand.u32 $0x70, v0  }
0x2b: {  	p1 =	por $0x1, $0x1;
	s17 =	simm.s32 $0x0;
	s16 =	sadd.s32 s16, s14;
	v0 =	vor.u32 v0, v1  }
.LBB2_4:
0x2c: {  	_ =	sdelay $0x1  }
0x2d: {  	s17 =	sshra.s32 s17, $0x2;
	p2 =	por p1, p1  }
.Ltmp3:
0x2e: {  	s17 =	sadd.s32 s17, s16;
	(pc) =	sbr.rel @p2 .LBB2_4-.Ltmp3, $4  }
0x2f: {  	[tilespmem:s17], [sflag:$0x1] =	stream.indirect_vreg.gather [hbm:s3], $0x80, v0, vm0, $0x38;
	[tilespmem:$0x10100] =	vst v63  }
0x30: {  	s17 =	sadd.s32 $0x800, s17  }
0x31: {  	[tilespmem:s17], [sflag:$0x1] =	stream.indirect_vreg.gather [hbm:s3], $0x80, v0, vm1, $0x38;
	[tilespmem:$0x10100] =	vst v63  }
0x32: {  	p1 =	por $0x0, $0x0;
	v0 =	vadd.s32 $0x80, v0;
	s17 =	simm.s32 $0x1000  }
0x33: {  	s15 =	sadd.s32 $0x1, s15  }
0x34: {  	p1 =	sne.s32 s15, $0x8  }
.Ltmp4:
0x35: {  	_ = 	snop;
	(pc) =	sbr.rel @p1 .LBB2_3-.Ltmp4, $1  }
0x36: {  	_ =	sdelay $0x3  }
0x37: {  	s13 =	sshll.u32 s11, $0x5  }
0x38: {  	s31 =	sshll.u32 s11, $0x4;
	s13 =	sand.u32 $0xFFFFFF00, s13  }
0x39: {  	_ =	swait.ge [sflag:s4], $0x8000;
	s11 =	sand.u32 $0x70, s31;
	s13 =	sadd.s32 s13, s7  }
0x3a: {  	s14 =	sadd.s32 $0x800, s12;
	[sflag:s4] =	ssyncset.done $0x0;
	s11 =	sadd.s32 s11, s13  }
0x3b: {  	[sflag:s4] =	ssyncadd.s32 $0xFFFF8000;
	s13 =	simm.s32 $0x100;
	s15 =	sadd.s32 $0x0, s11  }
.LBB2_7:
0x3c: {  	[hbm:s15] =	stream.linear.scatter [tilespmem:s12], [sflag:$0x3], $0x800, $0x38;
	[tilespmem:$0x10100] =	vst v63  }
0x3d: {  	s15 =	smov.u32 s13;
	s12 =	smov.u32 s14;
	p1 =	sne.s32 s13, $0xF00  }
.Ltmp5:
0x3e: {  	s13 =	sadd.s32 $0x100, s13;
	(pc) =	sbr.rel @p1 .LBB2_7-.Ltmp5, $2  }
0x3f: {  	_ =	sdelay $0x2  }
0x40: {  	s14 =	sadd.s32 $0x800, s14;
	s15 =	sadd.s32 s15, s11  }
.Ltmp6:
0x41: {  	_ = 	snop;
	(pc) =	sbr.rel .LBB2_8-.Ltmp6, $1  }
0x42: {  	_ =	sdelay $0x3  }
.LBB2_10:
0x43: {  	_ =	sfence.sel $0x180000  }
0x44: {  	s2 =	simm.s32 $0x2;
	[bflag:$0x0] =	sbarrier.arrive $0xFFFF  }
0x45: {  	s30 =	simm.s32 $0x3;
	[sflag:s2] =	ssyncpa.u1 $0x1  }
0x46: {  	s31 =	simm.s32 $0x1;
	[sflag:s30] =	ssyncpa.u1 $0x1  }
0x47: {  	[sflag:s31] =	ssyncpa.u1 $0x1  }
0x48: {  	p0 =	sne.s32 s1, $0x0;
	_ =	strace $0x90000047  }
0x49: {  	s0 =	sadd.s32 @!p0 $0x100000, s0;
	[bflag:$0x2] =	sbarrier.arrive $0xFFFF  }
0x4a: {  	[sflag:s0] =	ssyncadd.tile.s32 @!p0 $0x1;
	_ =	shalt  }
.Lfunc_end2:
_tile_overlayer_lowered:
.L_overlay_start_2:
0x4b: {  	(tag) =	ssettag $0x2  }
0x4c: {  	s0 =	rddreg [dreg:$0x0];
	s2 =	stileid.u32  }
0x4d: {  	s1 =	rddreg [dreg:$0x1];
	p0 =	sne.s32 s2, $0x0  }
0x4e: {  	s3 =	rddreg [dreg:$0x2];
	[bflag:$0x3] =	sbarrier.arrive $0xFFFF;
	s2 =	simm.s32 @!p0 $0x1C01  }
0x4f: {  	[timem:s3], [sflag:s2] =	dma.local @!p0 [hbm:s0], s1  }
0x50: {  	s0 =	simm.s32 @!p0 $0x1  }
0x51: {  	_ =	swait.ge @!p0 [sflag:s0], s1  }
0x52: {  	s1 =	ssub.s32 @!p0 $0x0, s1;
	[sflag:s0] =	ssyncset.done @!p0 $0x0  }
0x53: {  	[sflag:s0] =	ssyncadd.s32 @!p0 s1  }
0x54: {  	[bflag:$0x3] =	sbarrier.arrive $0xFFFF  }
0x55: {  	_ =	shalt  }

// kernel: kernel.4.cloned.1.call-start
scs
__scs_entry_jumppad:
0x0: {  	(pc) =	sbr.rel $0x88, $3  }
0x1: {  	(tag) =	ssettag $0x0;
	lr =	simm.s32 $0x1  }
0x2: {  	[smem:$0x3F9B] =	sst lr;
	_ =	strace $0xD0000000  }
0x3: {  	_ = 	snop  }
0x4: {  	_ = 	snop  }
0x5: {  	_ = 	snop  }
0x6: {  	_ = 	snop  }
0x7: {  	_ = 	snop  }
__scs_overlays_trampoline_lowered:
0x8: {  	[smem:$0x3FAA] =	sst s0  }
0x9: {  	[smem:$0x3FAB] =	sst s1  }
0xa: {  	[smem:$0x3FAC] =	sst s2  }
0xb: {  	[smem:$0x3FAD] =	sst s3  }
0xc: {  	[smem:$0x3FAE] =	sst s4  }
0xd: {  	[smem:$0x3FAF] =	sst s5  }
0xe: {  	[smem:$0x3FB0] =	sst s6  }
0xf: {  	[smem:$0x3FB1] =	sst s7  }
0x10: {  	[smem:$0x3FB2] =	sst s8  }
0x11: {  	[smem:$0x3FB3] =	sst s9;
	s0 =	simm.s32 @!p0 $0x0  }
0x12: {  	s1 =	sld [smem:$0x3F99];
	s0 =	simm.s32 @p0 $0x1  }
0x13: {  	[smem:$0x3FB4] =	sst s0;
	s0 =	simm.s32 @!p1 $0x0  }
0x14: {  	s2 =	sld [smem:$0x3F98];
	s0 =	simm.s32 @p1 $0x1  }
0x15: {  	[smem:$0x3FB5] =	sst s0;
	s0 =	simm.s32 @!p2 $0x0  }
0x16: {  	s3 =	sld [smem:$0x3FDB];
	s0 =	simm.s32 @p2 $0x1  }
0x17: {  	s4 =	simm.s32 $0x1BF5;
	[smem:$0x3FB7] =	sst s0  }
0x18: {  	s0 =	sld [smem:$0x3F9A];
	_ =	swait.ge [sflag:s4], $0x0  }
0x19: {  	s7 =	sld [smem:$0x3F9B]  }
0x1a: {  	s8 =	sadd.s32 $0xFFFFE003, lr  }
0x1b: {  	s9 =	sadd.s32 $0xFFFFFEF7, lr;
	s5 =	simm.s32 $0xFFFFFFFF;
	p2 =	slt.u32 s8, $0xFFFFF086  }
0x1c: {  	p1 =	slt.u32 s9, $0xF7A;
	s5 =	simm.s32 @!p2 $0x0  }
0x1d: {  	s5 =	simm.s32 @p1 $0x1;
	p0 =	seq.s32 s7, s2  }
0x1e: {  	s7 =	smul.u32 @!p0 $0xF7A, s2;
	p2 =	seq.s32 @!p0 s5, $0x0  }
0x1f: {  	s9 =	smul.u32 $0xF7A, s1;
	s8 =	simm.s32 @!p0 $0x1BF5;
	p2 =	por !p2, p0  }
0x20: {  	[sflag:s8] =	ssyncset.s32 @!p0 $0xFFFFF086;
	s6 =	sadd.s32 @!p0 s3, s7;
	s7 =	simm.s32 @!p0 $0x108  }
0x21: {  	s3 =	sadd.s32 s3, s9;
	s6 =	sadd.s32 @!p0 $0x88, s6;
	s7 =	simm.s32 @p2 $0x1082  }
0x22: {  	[simem:s7], [sflag:s8] =	dma.local @!p0 [hbm:s6], $0xF7A  }
0x23: {  	s9 =	sor.u32 $0xD0000000, s2;
	s6 =	simm.s32 $0x108;
	_ =	swait.ge @!p0 [sflag:s8], $0x0  }
0x24: {  	s3 =	sadd.s32 $0x88, s3;
	s6 =	simm.s32 @!p1 $0x1082;
	[sflag:s4] =	ssyncset.s32 $0xFFFFF086  }
0x25: {  	[simem:s6], [sflag:s4] =	dma.local [hbm:s3], $0xF7A  }
0x26: {  	[smem:$0x3F9B] =	sst s1;
	(tag) =	ssettag s2;
	_ =	strace s9  }
0x27: {  	s1 =	sld [smem:$0x3FAB]  }
0x28: {  	s2 =	sld [smem:$0x3FAC]  }
0x29: {  	s4 =	sld [smem:$0x3FAE]  }
0x2a: {  	p0 =	seq.s32 s5, $0x0;
	s5 =	sld [smem:$0x3FAF]  }
0x2b: {  	s6 =	sld [smem:$0x3FB0]  }
0x2c: {  	s7 =	sld [smem:$0x3FB1]  }
0x2d: {  	s3 =	simm.s32 $0x108;
	s8 =	sld [smem:$0x3FB2]  }
0x2e: {  	s3 =	simm.s32 @!p0 $0x1082;
	s9 =	sld [smem:$0x3FB3]  }
0x2f: {  	lr =	sadd.s32 s0, s3;
	s0 =	sld [smem:$0x3FAA]  }
0x30: {  	s3 =	sld [smem:$0x3FAD]  }
0x31: {  	[smem:$0x3FB6] =	sst s10  }
0x32: {  	s10 =	sld [smem:$0x3FB4];
	_ =	sdelay $0x3  }
0x33: {  	p0 =	seq.s32 s10, $0x1;
	s10 =	sld [smem:$0x3FB6];
	_ =	sdelay $0x3  }
0x34: {  	[smem:$0x3FB6] =	sst s10  }
0x35: {  	s10 =	sld [smem:$0x3FB5];
	_ =	sdelay $0x3  }
0x36: {  	p1 =	seq.s32 s10, $0x1;
	s10 =	sld [smem:$0x3FB6];
	_ =	sdelay $0x3  }
0x37: {  	[smem:$0x3FB6] =	sst s10  }
0x38: {  	s10 =	sld [smem:$0x3FB7]  }
0x39: {  	_ = 	snop;
	(pc) =	sbr.ind lr, $3  }
0x3a: {  	_ = 	snop  }
0x3b: {  	_ = 	snop  }
0x3c: {  	p2 =	seq.s32 s10, $0x1;
	s10 =	sld [smem:$0x3FB6]  }
0x3d: {  	_ =	shalt  }
0x3e: {  	_ =	shalt  }
0x3f: {  	_ =	shalt  }
0x40: {  	_ =	shalt  }
0x41: {  	_ =	shalt  }
0x42: {  	_ =	shalt  }
0x43: {  	_ =	shalt  }
0x44: {  	_ =	shalt  }
0x45: {  	_ =	shalt  }
0x46: {  	_ =	shalt  }
0x47: {  	_ =	shalt  }
0x48: {  	_ =	shalt  }
0x49: {  	_ =	shalt  }
0x4a: {  	_ =	shalt  }
0x4b: {  	_ =	shalt  }
0x4c: {  	_ =	shalt  }
0x4d: {  	_ =	shalt  }
0x4e: {  	_ =	shalt  }
0x4f: {  	_ =	shalt  }
0x50: {  	_ =	shalt  }
0x51: {  	_ =	shalt  }
0x52: {  	_ =	shalt  }
0x53: {  	_ =	shalt  }
0x54: {  	_ =	shalt  }
0x55: {  	_ =	shalt  }
0x56: {  	_ =	shalt  }
0x57: {  	_ =	shalt  }
0x58: {  	_ =	shalt  }
0x59: {  	_ =	shalt  }
0x5a: {  	_ =	shalt  }
0x5b: {  	_ =	shalt  }
0x5c: {  	_ =	shalt  }
0x5d: {  	_ =	shalt  }
0x5e: {  	_ =	shalt  }
0x5f: {  	_ =	shalt  }
0x60: {  	_ =	shalt  }
0x61: {  	_ =	shalt  }
0x62: {  	_ =	shalt  }
0x63: {  	_ =	shalt  }
0x64: {  	_ =	shalt  }
0x65: {  	_ =	shalt  }
0x66: {  	_ =	shalt  }
0x67: {  	_ =	shalt  }
0x68: {  	_ =	shalt  }
0x69: {  	_ =	shalt  }
0x6a: {  	_ =	shalt  }
0x6b: {  	_ =	shalt  }
0x6c: {  	_ =	shalt  }
0x6d: {  	_ =	shalt  }
0x6e: {  	_ =	shalt  }
0x6f: {  	_ =	shalt  }
0x70: {  	_ =	shalt  }
0x71: {  	_ =	shalt  }
0x72: {  	_ =	shalt  }
0x73: {  	_ =	shalt  }
0x74: {  	_ =	shalt  }
0x75: {  	_ =	shalt  }
0x76: {  	_ =	shalt  }
0x77: {  	_ =	shalt  }
0x78: {  	_ =	shalt  }
0x79: {  	_ =	shalt  }
0x7a: {  	_ =	shalt  }
0x7b: {  	_ =	shalt  }
0x7c: {  	_ =	shalt  }
0x7d: {  	_ =	shalt  }
0x7e: {  	_ =	shalt  }
0x7f: {  	_ =	shalt  }
0x80: {  	_ =	shalt  }
0x81: {  	_ =	shalt  }
0x82: {  	_ =	shalt  }
0x83: {  	_ =	shalt  }
0x84: {  	_ =	shalt  }
0x85: {  	_ =	shalt  }
0x86: {  	_ =	shalt  }
0x87: {  	_ =	shalt  }
.Lfunc_end0:
.L_simem_size_0:
called_computation.3_lowered:
.L_overlay_start_0:
0x88: {  	s2 =	sld [smem:$0x3FD9]  }
0x89: {  	s3 =	sld [smem:$0x3FFE];
	_ =	sdelay $0x1  }
0x8a: {  	s1 =	srdreg.scid  }
0x8b: {  	s0 =	sand.u32 $0x1, s1  }
0x8c: {  	s17 =	sshll.u32 s0, $0xA;
	s2 =	sadd.s32 s3, s2  }
0x8d: {  	s2 =	sadd.s32 s2, s17  }
0x8e: {  	[smem:$0x3FC2] =	sst s2  }
0x8f: {  	_ = 	snop  }
0x90: {  	s2 =	sld [smem:$0x3FD0];
	(tm) =	ssettm $0x1  }
0x91: {  	s18 =	sld [smem:$0x3FFB];
	_ =	sdelay $0x3  }
0x92: {  	_ =	strace s18  }
0x93: {  	s3 =	sld [smem:$0x3FFC];
	_ =	sdelay $0x3  }
0x94: {  	_ =	strace s3  }
0x95: {  	s3 =	sld [smem:$0x3FFD];
	_ =	sdelay $0x3  }
0x96: {  	_ =	strace s3  }
0x97: {  	_ =	strace $0x8FFFFFFF  }
0x98: {  	s19 =	sld [smem:$0x3FDB];
	_ =	sdelay $0x1  }
0x99: {  	s4 =	simm.s32 $_scs_section_size  }
0x9a: {  	s5 =	simm.s32 $_size__tile_overlayer_lowered;
	s6 =	simm.s32 $_tile_overlayer_lowered  }
0x9b: {  	s22 =	simm.s32 $0x1BFF;
	s21 =	sshll.u32 s6, $0x1;
	s3 =	sadd.s32 s4, s19  }
0x9c: {  	s7 =	simm.s32 $0x0;
	s20 =	sshll.u32 s5, $0x1;
	s5 =	sadd.s32 s21, s3  }
0x9d: {  	[timem:s7], [sflag:s22] =	dma.local [hbm:s5], s20  }
0x9e: {  	_ =	swait.ge [sflag:s22], s20  }
0x9f: {  	s4 =	ssub.s32 $0x0, s20;
	[sflag:s22] =	ssyncset.done $0x0  }
0xa0: {  	[sflag:s22] =	ssyncadd.s32 s4;
	_ =	sdelay $0x1  }
0xa1: {  	s23 =	simm.s32 $0x1B8B  }
0xa2: {  	_ =	swait.ge [sflag:s23], $0x1  }
0xa3: {  	[sflag:s23] =	ssyncset.done $0x0  }
0xa4: {  	s25 =	simm.s32 $0x1B8E;
	s24 =	sld [smem:$0x3FFE];
	[sflag:s23] =	ssyncadd.s32 $0xFFFFFFFF  }
0xa5: {  	s26 =	simm.s32 $execute0_lowered;
	[smem:$0x3FD2] =	sst s25  }
0xa6: {  	s5 =	sshll.u32 s26, $0x1;
	_ =	strace $0x8000004F;
	[dreg:$0x1] =	wrdreg $0xFFFFFFFF  }
0xa7: {  	s28 =	simm.s32 $_size_execute0_lowered;
	s3 =	sadd.s32 s3, s5;
	[dreg:$0x0] =	wrdreg $0x0  }
0xa8: {  	s5 =	sshll.u32 s28, $0x1;
	[dreg:$0x2] =	wrdreg s3  }
0xa9: {  	[dreg:$0x3] =	wrdreg s5  }
0xaa: {  	[dreg:$0x4] =	wrdreg $0xC0  }
0xab: {  	_ =	task [dreg:s7], $0x5FFFF  }
0xac: {  	[dreg:$0x1] =	wrdreg $0xFFFFFFFF  }
0xad: {  	[dreg:$0x0] =	wrdreg $0x60  }
0xae: {  	[dreg:$0x2] =	wrdreg s24  }
0xaf: {  	[dreg:$0x3] =	wrdreg s2  }
0xb0: {  	[dreg:$0x4] =	wrdreg $0x1AC000  }
0xb1: {  	[dreg:$0x5] =	wrdreg $0x1EC000  }
0xb2: {  	[dreg:$0x6] =	wrdreg $0x9  }
0xb3: {  	_ =	task.clear_ibuf [dreg:s7], $0x7FFFF;
	_ =	strace $0x9000004F  }
0xb4: {  	s29 =	simm.s32 $0x9;
	_ =	strace $0x80000051  }
0xb5: {  	_ =	swait.ge [sflag:s29], $0x1  }
0xb6: {  	[sflag:s29] =	ssyncadd.s32 $0xFFFFFFFF  }
0xb7: {  	_ =	strace $0x90000051  }
0xb8: {  	_ =	sfence  }
0xb9: {  	s30 =	sld [smem:$0x0];
	_ =	sdelay $0x2  }
0xba: {  	s31 =	sshll.u32 s1, $0xD;
	s1 =	sshrl.u32 s1, $0x2  }
0xbb: {  	s3 =	sand.u32 $0x4000, s31;
	s1 =	sadd.s32 s1, s30  }
0xbc: {  	s0 =	sor.u32 s3, s0;
	s1 =	sshll.u32 s1, $0x11  }
0xbd: {  	s0 =	sor.u32 s1, s0  }
0xbe: {  	s0 =	sadd.s32 $0x8F2B, s0  }
0xbf: {  	[sflag:s0] =	ssyncadd.remote.s32 $0x1  }
0xc0: {  	_ =	sfence.sel $0xFFFF  }
0xc1: {  	[dreg:$0x0] =	wrdreg $0xFFFFFFFF;
	(pc) =	sbr.abs _section_cstart, $3  }
0xc2: {  	[dreg:$0x1] =	wrdreg $0xFFFFFFFF  }
0xc3: {  	_ =	task.clear_ibuf [dreg:s7], $0x2FFFF;
	_ =	strace $0x9FFFFFFF  }
0xc4: {  	(tm) =	ssettm $0x7FFFFFFF  }
0xc5: {  	_ =	shalt  }
tec
execute0_lowered:
.L_overlay_start_1:
0x0: {  	(tag) =	ssettag $0x1  }
0x1: {  	s0 =	rddreg [dreg:$0x0]  }
0x2: {  	s2 =	rddreg [dreg:$0x2]  }
0x3: {  	s7 =	rddreg [dreg:$0x3]  }
0x4: {  	s4 =	simm.s32 $0x0;
	s1 =	srdreg.scid;
	s10 =	stileid.u32  }
0x5: {  	s17 =	simm.s32 $0x1;
	s22 =	simm.s32 $0x19C00;
	s23 =	simm.s32 $0x18000  }
0x6: {  	s24 =	simm.s32 $0x18400;
	s28 =	simm.s32 $0x14000;
	[smem:$0x7FF] =	sst s4  }
0x7: {  	s3 =	sadd.s32 $0x1800, s0;
	s6 =	sadd.s32 $0x916800, s0;
	s1 =	sand.u32 $0x1, s1  }
0x8: {  	s8 =	sadd.s32 $0x92B000, s0;
	s9 =	sadd.s32 $0x902000, s0;
	s0 =	sadd.s32 $0x101800, s0  }
0x9: {  	s29 =	sshll.u32 s10, $0xE;
	s30 =	sshll.u32 s10, $0xC;
	s13 =	smul.u32 $0xA400, s10  }
0xa: {  	s31 =	sshll.u32 s10, $0x6;
	_ =	strace $0x80000050;
	[dreg:$0x5] =	wrdreg s3  }
0xb: {  	s25 =	ssub.s32 $0x2, s1;
	[dreg:$0x6] =	wrdreg s0;
	s5 =	sshll.u32 s1, $0x16  }
0xc: {  	s11 =	sadd.s32 s29, s2;
	s14 =	sadd.s32 s30, s7;
	s1 =	sshll.u32 s1, $0x14  }
0xd: {  	s19 =	sor.u32 $0x1C01, s31;
	s26 =	sshrl.u32 s25, $0x1;
	s3 =	sor.u32 s29, s5  }
0xe: {  	s15 =	sor.u32 s30, s1;
	s20 =	sshrl.u32 s11, $0x3;
	s0 =	ssub.s32 s25, s26  }
0xf: {  	s1 =	simm.s32 $0x0;
	[dreg:$0x7] =	wrdreg s3;
	s0 =	smax.u32 s0, $0x1  }
0x10: {  	s25 =	simm.s32 $0x18800;
	s26 =	simm.s32 $0x400;
	[dreg:$0x8] =	wrdreg s0  }
.LBB2_1:
0x11: {  	[dreg:$0x9] =	wrdreg s1  }
0x12: {  	s0 =	rddreg [dreg:$0x6]  }
0x13: {  	[tilespmem:s4], [sflag:$0x1] =	stream.linear.gather [hbm4b:s0+s4], $0x10000, $0x38;
	[tilespmem:$0x1FC00] =	vst v63  }
0x14: {  	_ =	swait.ge [sflag:s17], $0x10000  }
0x15: {  	[sflag:s17] =	ssyncset.done $0x0  }
0x16: {  	s31 =	simm.s32 $0x18C00;
	[sflag:s17] =	ssyncadd.s32 $0xFFFF0000  }
0x17: {  	[tilespmem:s31], [sflag:$0x1] =	stream.linear.gather [hbm4b:s0+s4], $0x1000, $0x38;
	[tilespmem:$0x1FC00] =	vst v63  }
0x18: {  	_ =	swait.ge [sflag:s17], $0x1000  }
0x19: {  	[sflag:s17] =	ssyncset.done $0x0  }
0x1a: {  	s30 =	simm.s32 $0x0;
	[sflag:s17] =	ssyncadd.s32 $0xFFFFF000  }
.LBB2_2:
0x1b: {  	s0 =	sshll.u32 s30, $0x12;
	s1 =	rddreg [dreg:$0x7]  }
0x1c: {  	s0 =	sadd.s32 s1, s0  }
0x1d: {  	s29 =	rddreg [dreg:$0x5];
	s0 =	sshrl.u32 s0, $0x3  }
0x1e: {  	p0 =	seq.s32 s30, $0x0;
	s0 =	sadd.s32 s29, s0  }
0x1f: {  	[spmem:s20], [sflag:s19] =	dma.local [hbm:s0], $0x800  }
.Ltmp0:
0x20: {  	_ =	swait.ge [sflag:s17], $0x800;
	(pc) =	sbr.rel @p0 .LBB2_6-.Ltmp0, $4  }
0x21: {  	[sflag:s17] =	ssyncset.done $0x0  }
0x22: {  	[sflag:s17] =	ssyncadd.s32 $0xFFFFF800  }
0x23: {  	[bflag:$0x0] =	sbarrier.arrive $0xFFFF  }
0x24: {  	s31 =	simm.s32 $0x0;
	s0 =	simm.s32 $0x0  }
.LBB2_3:
0x25: {  	s1 =	sshll.u32 s0, $0xA  }
0x26: {  	s1 =	sadd.s32 s13, s1  }
0x27: {  	s1 =	sshrl.u32 s1, $0x3  }
0x28: {  	s3 =	sadd.s32 s6, s1  }
0x29: {  	[tilespmem:s23], [sflag:$0x1] =	stream.linear.gather [hbm4b:s3+s31], $0x400, $0x38;
	[tilespmem:$0x1FC00] =	vst v63  }
0x2a: {  	_ =	swait.ge [sflag:s17], $0x400  }
0x2b: {  	[sflag:s17] =	ssyncset.done $0x0  }
0x2c: {  	s21 =	sadd.s32 s8, s1;
	[sflag:s17] =	ssyncadd.s32 $0xFFFFFC00  }
0x2d: {  	[tilespmem:s24], [sflag:$0x1] =	stream.linear.gather [hbm4b:s21+s31], $0x400, $0x38;
	[tilespmem:$0x1FC00] =	vst v63  }
0x2e: {  	_ =	swait.ge [sflag:s17], $0x400  }
0x2f: {  	[sflag:s17] =	ssyncset.done $0x0  }
0x30: {  	s1 =	sadd.s32 s9, s1;
	[sflag:s17] =	ssyncadd.s32 $0xFFFFFC00  }
0x31: {  	[tilespmem:s25], [sflag:$0x1] =	stream.linear.gather [hbm4b:s1+s31], $0x400, $0x38;
	[tilespmem:$0x1FC00] =	vst v63  }
0x32: {  	_ =	swait.ge [sflag:s17], $0x400  }
0x33: {  	[sflag:s17] =	ssyncset.done $0x0  }
0x34: {  	s29 =	simm.s32 $0x0;
	[sflag:s17] =	ssyncadd.s32 $0xFFFFFC00  }
0x35: {  	v0 =	vld [tilespmem:s29+$0x18000];
	_ =	sdelay $0x4  }
0x36: {  	v0 =	vshll.u32 v0, $0x6  }
0x37: {  	v0 =	vshra.s32 v0, $0x2  }
0x38: {  	(v2sf) =	vpush v0, $0x0;
	_ =	sdelay $0x7  }
0x39: {  	(v2sf) =	vpush v0, $0x1;
	_ =	sdelay $0x5  }
0x3a: {  	v1 =	vld [tilespmem:s29+$0x18400]  }
0x3b: {  	s3 =	spop (v2sf)  }
0x3c: {  	(v2sf) =	vpush v0, $0x2;
	v2 =	vld [tilespmem:s3+$0x0];
	_ =	sdelay $0x2  }
0x3d: {  	v3 =	vbroadcast v1, $0x0;
	_ =	sdelay $0x1  }
0x3e: {  	v2 =	vmul.f32 v3, v2  }
0x3f: {  	s7 =	simm.s32 $0x14080  }
0x40: {  	s5 =	spop (v2sf);
	[tilespmem:s7+$0xFFFFFF80] =	vst v2  }
0x41: {  	(v2sf) =	vpush v0, $0x3;
	v2 =	vld [tilespmem:s5+$0x0];
	_ =	sdelay $0x2  }
0x42: {  	v3 =	vbroadcast v1, $0x1;
	_ =	sdelay $0x1  }
0x43: {  	v2 =	vmul.f32 v2, v3;
	_ =	sdelay $0x1  }
0x44: {  	s10 =	spop (v2sf);
	[tilespmem:s7+$0xFFFFFF90] =	vst v2  }
0x45: {  	(v2sf) =	vpush v0, $0x4;
	v2 =	vld [tilespmem:s10+$0x0];
	_ =	sdelay $0x2  }
0x46: {  	v3 =	vbroadcast v1, $0x2;
	_ =	sdelay $0x1  }
0x47: {  	v2 =	vmul.f32 v2, v3;
	_ =	sdelay $0x1  }
0x48: {  	s12 =	spop (v2sf);
	[tilespmem:s7+$0xFFFFFFA0] =	vst v2  }
0x49: {  	(v2sf) =	vpush v0, $0x5;
	v2 =	vld [tilespmem:s12+$0x0];
	_ =	sdelay $0x2  }
0x4a: {  	v3 =	vbroadcast v1, $0x3;
	_ =	sdelay $0x1  }
0x4b: {  	v2 =	vmul.f32 v2, v3;
	_ =	sdelay $0x1  }
0x4c: {  	s16 =	spop (v2sf);
	[tilespmem:s7+$0xFFFFFFB0] =	vst v2  }
0x4d: {  	(v2sf) =	vpush v0, $0x6;
	v2 =	vld [tilespmem:s16+$0x0];
	_ =	sdelay $0x2  }
0x4e: {  	v3 =	vbroadcast v1, $0x4;
	_ =	sdelay $0x1  }
0x4f: {  	v2 =	vmul.f32 v2, v3;
	_ =	sdelay $0x1  }
0x50: {  	s18 =	spop (v2sf);
	[tilespmem:s7+$0xFFFFFFC0] =	vst v2  }
0x51: {  	(v2sf) =	vpush v0, $0x7;
	v2 =	vld [tilespmem:s18+$0x0];
	_ =	sdelay $0x2  }
0x52: {  	v3 =	vbroadcast v1, $0x5;
	_ =	sdelay $0x1  }
0x53: {  	v2 =	vmul.f32 v2, v3;
	_ =	sdelay $0x1  }
0x54: {  	s21 =	spop (v2sf);
	[tilespmem:s7+$0xFFFFFFD0] =	vst v2  }
0x55: {  	(v2sf) =	vpush v0, $0x8;
	v2 =	vld [tilespmem:s21+$0x0];
	_ =	sdelay $0x2  }
0x56: {  	v3 =	vbroadcast v1, $0x6;
	_ =	sdelay $0x1  }
0x57: {  	v2 =	vmul.f32 v2, v3;
	_ =	sdelay $0x1  }
0x58: {  	s29 =	spop (v2sf);
	[tilespmem:s7+$0xFFFFFFE0] =	vst v2  }
0x59: {  	(v2sf) =	vpush v0, $0x9;
	v2 =	vld [tilespmem:s29+$0x0];
	_ =	sdelay $0x2  }
0x5a: {  	v3 =	vbroadcast v1, $0x7;
	_ =	sdelay $0x1  }
0x5b: {  	v2 =	vmul.f32 v2, v3;
	_ =	sdelay $0x1  }
0x5c: {  	s3 =	spop (v2sf);
	[tilespmem:s7+$0xFFFFFFF0] =	vst v2  }
0x5d: {  	(v2sf) =	vpush v0, $0xA;
	v2 =	vld [tilespmem:s3+$0x0];
	_ =	sdelay $0x2  }
0x5e: {  	v3 =	vbroadcast v1, $0x8;
	_ =	sdelay $0x1  }
0x5f: {  	v2 =	vmul.f32 v2, v3;
	_ =	sdelay $0x1  }
0x60: {  	s5 =	spop (v2sf);
	[tilespmem:s7+$0x0] =	vst v2  }
0x61: {  	(v2sf) =	vpush v0, $0xB;
	v2 =	vld [tilespmem:s5+$0x0];
	_ =	sdelay $0x2  }
0x62: {  	v3 =	vbroadcast v1, $0x9;
	_ =	sdelay $0x1  }
0x63: {  	v2 =	vmul.f32 v2, v3;
	_ =	sdelay $0x1  }
0x64: {  	s10 =	spop (v2sf);
	[tilespmem:s7+$0x10] =	vst v2  }
0x65: {  	(v2sf) =	vpush v0, $0xC;
	v2 =	vld [tilespmem:s10+$0x0];
	_ =	sdelay $0x2  }
0x66: {  	v3 =	vbroadcast v1, $0xA;
	_ =	sdelay $0x1  }
0x67: {  	v2 =	vmul.f32 v2, v3;
	_ =	sdelay $0x1  }
0x68: {  	s12 =	spop (v2sf);
	[tilespmem:s7+$0x20] =	vst v2  }
0x69: {  	(v2sf) =	vpush v0, $0xD;
	v2 =	vld [tilespmem:s12+$0x0];
	_ =	sdelay $0x2  }
0x6a: {  	v3 =	vbroadcast v1, $0xB;
	_ =	sdelay $0x1  }
0x6b: {  	v2 =	vmul.f32 v2, v3;
	_ =	sdelay $0x1  }
0x6c: {  	s16 =	spop (v2sf);
	[tilespmem:s7+$0x30] =	vst v2  }
0x6d: {  	(v2sf) =	vpush v0, $0xE;
	v2 =	vld [tilespmem:s16+$0x0];
	_ =	sdelay $0x2  }
0x6e: {  	v3 =	vbroadcast v1, $0xC;
	_ =	sdelay $0x1  }
0x6f: {  	v2 =	vmul.f32 v2, v3;
	_ =	sdelay $0x1  }
0x70: {  	s18 =	spop (v2sf);
	[tilespmem:s7+$0x40] =	vst v2  }
0x71: {  	(v2sf) =	vpush v0, $0xF;
	v2 =	vld [tilespmem:s18+$0x0];
	_ =	sdelay $0x2  }
0x72: {  	v0 =	vbroadcast v1, $0xD;
	_ =	sdelay $0x1  }
0x73: {  	v0 =	vmul.f32 v2, v0;
	_ =	sdelay $0x1  }
0x74: {  	s21 =	spop (v2sf);
	[tilespmem:s7+$0x50] =	vst v0  }
0x75: {  	v0 =	vld [tilespmem:s21+$0x0];
	_ =	sdelay $0x2  }
0x76: {  	v2 =	vbroadcast v1, $0xE;
	_ =	sdelay $0x1  }
0x77: {  	v0 =	vmul.f32 v0, v2;
	_ =	sdelay $0x1  }
0x78: {  	s29 =	spop (v2sf);
	[tilespmem:s7+$0x60] =	vst v0  }
0x79: {  	v0 =	vld [tilespmem:s29+$0x0];
	_ =	sdelay $0x2  }
0x7a: {  	v1 =	vbroadcast v1, $0xF;
	_ =	sdelay $0x1  }
0x7b: {  	s1 =	simm.s32 $0x40;
	s3 =	simm.s32 $0x80;
	v0 =	vmul.f32 v0, v1  }
.LBB2_4:
0x7c: {  	s5 =	sshra.s32 s1, $0x2  }
0x7d: {  	s1 =	smov.u32 s3;
	s10 =	sadd.s32 $0x40, s3;
	[tilespmem:s7+$0x70] =	vst v0;
	s7 =	sadd.s32 $0x100, s7  }
0x7e: {  	p0 =	sne.s32 s3, $0xFC0;
	v0 =	vld [tilespmem:s5+$0x18000];
	_ =	sdelay $0x4  }
0x7f: {  	v0 =	vshll.u32 v0, $0x6  }
0x80: {  	v1 =	vshra.s32 v0, $0x2  }
0x81: {  	(v2sf) =	vpush v1, $0x0;
	_ =	sdelay $0x7  }
0x82: {  	(v2sf) =	vpush v1, $0x1;
	_ =	sdelay $0x5  }
0x83: {  	v0 =	vld [tilespmem:s5+$0x18400]  }
0x84: {  	s3 =	spop (v2sf)  }
0x85: {  	v2 =	vld [tilespmem:s3+$0x0];
	(v2sf) =	vpush v1, $0x2;
	_ =	sdelay $0x2  }
0x86: {  	v3 =	vbroadcast v0, $0x0;
	_ =	sdelay $0x1  }
0x87: {  	v2 =	vmul.f32 v3, v2;
	_ =	sdelay $0x1  }
0x88: {  	[tilespmem:s7+$0xFFFFFF80] =	vst v2;
	s3 =	spop (v2sf)  }
0x89: {  	v2 =	vld [tilespmem:s3+$0x0];
	(v2sf) =	vpush v1, $0x3;
	_ =	sdelay $0x2  }
0x8a: {  	v3 =	vbroadcast v0, $0x1;
	_ =	sdelay $0x1  }
0x8b: {  	v2 =	vmul.f32 v2, v3;
	_ =	sdelay $0x1  }
0x8c: {  	[tilespmem:s7+$0xFFFFFF90] =	vst v2;
	s3 =	spop (v2sf)  }
0x8d: {  	v2 =	vld [tilespmem:s3+$0x0];
	(v2sf) =	vpush v1, $0x4;
	_ =	sdelay $0x2  }
0x8e: {  	v3 =	vbroadcast v0, $0x2;
	_ =	sdelay $0x1  }
0x8f: {  	v2 =	vmul.f32 v2, v3;
	_ =	sdelay $0x1  }
0x90: {  	[tilespmem:s7+$0xFFFFFFA0] =	vst v2;
	s3 =	spop (v2sf)  }
0x91: {  	v2 =	vld [tilespmem:s3+$0x0];
	(v2sf) =	vpush v1, $0x5;
	_ =	sdelay $0x2  }
0x92: {  	v3 =	vbroadcast v0, $0x3;
	_ =	sdelay $0x1  }
0x93: {  	v2 =	vmul.f32 v2, v3;
	_ =	sdelay $0x1  }
0x94: {  	[tilespmem:s7+$0xFFFFFFB0] =	vst v2;
	s3 =	spop (v2sf)  }
0x95: {  	v2 =	vld [tilespmem:s3+$0x0];
	(v2sf) =	vpush v1, $0x6;
	_ =	sdelay $0x2  }
0x96: {  	v3 =	vbroadcast v0, $0x4;
	_ =	sdelay $0x1  }
0x97: {  	v2 =	vmul.f32 v2, v3;
	_ =	sdelay $0x1  }
0x98: {  	[tilespmem:s7+$0xFFFFFFC0] =	vst v2;
	s3 =	spop (v2sf)  }
0x99: {  	v2 =	vld [tilespmem:s3+$0x0];
	(v2sf) =	vpush v1, $0x7;
	_ =	sdelay $0x2  }
0x9a: {  	v3 =	vbroadcast v0, $0x5;
	_ =	sdelay $0x1  }
0x9b: {  	v2 =	vmul.f32 v2, v3;
	_ =	sdelay $0x1  }
0x9c: {  	[tilespmem:s7+$0xFFFFFFD0] =	vst v2;
	s3 =	spop (v2sf)  }
0x9d: {  	v2 =	vld [tilespmem:s3+$0x0];
	(v2sf) =	vpush v1, $0x8;
	_ =	sdelay $0x2  }
0x9e: {  	v3 =	vbroadcast v0, $0x6;
	_ =	sdelay $0x1  }
0x9f: {  	v2 =	vmul.f32 v2, v3;
	_ =	sdelay $0x1  }
0xa0: {  	[tilespmem:s7+$0xFFFFFFE0] =	vst v2;
	s3 =	spop (v2sf)  }
0xa1: {  	v2 =	vld [tilespmem:s3+$0x0];
	(v2sf) =	vpush v1, $0x9;
	_ =	sdelay $0x2  }
0xa2: {  	v3 =	vbroadcast v0, $0x7;
	_ =	sdelay $0x1  }
0xa3: {  	v2 =	vmul.f32 v2, v3;
	_ =	sdelay $0x1  }
0xa4: {  	[tilespmem:s7+$0xFFFFFFF0] =	vst v2;
	s3 =	spop (v2sf)  }
0xa5: {  	v2 =	vld [tilespmem:s3+$0x0];
	(v2sf) =	vpush v1, $0xA;
	_ =	sdelay $0x2  }
0xa6: {  	v3 =	vbroadcast v0, $0x8;
	_ =	sdelay $0x1  }
0xa7: {  	v2 =	vmul.f32 v2, v3;
	_ =	sdelay $0x1  }
0xa8: {  	[tilespmem:s7+$0x0] =	vst v2;
	s3 =	spop (v2sf)  }
0xa9: {  	v2 =	vld [tilespmem:s3+$0x0];
	(v2sf) =	vpush v1, $0xB;
	_ =	sdelay $0x2  }
0xaa: {  	v3 =	vbroadcast v0, $0x9;
	_ =	sdelay $0x1  }
0xab: {  	v2 =	vmul.f32 v2, v3;
	_ =	sdelay $0x1  }
0xac: {  	[tilespmem:s7+$0x10] =	vst v2;
	s3 =	spop (v2sf)  }
0xad: {  	v2 =	vld [tilespmem:s3+$0x0];
	(v2sf) =	vpush v1, $0xC;
	_ =	sdelay $0x2  }
0xae: {  	v3 =	vbroadcast v0, $0xA;
	_ =	sdelay $0x1  }
0xaf: {  	v2 =	vmul.f32 v2, v3;
	_ =	sdelay $0x1  }
0xb0: {  	[tilespmem:s7+$0x20] =	vst v2;
	s3 =	spop (v2sf)  }
0xb1: {  	v2 =	vld [tilespmem:s3+$0x0];
	(v2sf) =	vpush v1, $0xD;
	_ =	sdelay $0x2  }
0xb2: {  	v3 =	vbroadcast v0, $0xB;
	_ =	sdelay $0x1  }
0xb3: {  	v2 =	vmul.f32 v2, v3;
	_ =	sdelay $0x1  }
0xb4: {  	[tilespmem:s7+$0x30] =	vst v2;
	s3 =	spop (v2sf)  }
0xb5: {  	v2 =	vld [tilespmem:s3+$0x0];
	(v2sf) =	vpush v1, $0xE;
	_ =	sdelay $0x2  }
0xb6: {  	v3 =	vbroadcast v0, $0xC;
	_ =	sdelay $0x1  }
0xb7: {  	v2 =	vmul.f32 v2, v3;
	_ =	sdelay $0x1  }
0xb8: {  	[tilespmem:s7+$0x40] =	vst v2;
	s3 =	spop (v2sf)  }
0xb9: {  	v2 =	vld [tilespmem:s3+$0x0];
	(v2sf) =	vpush v1, $0xF;
	_ =	sdelay $0x2  }
0xba: {  	v1 =	vbroadcast v0, $0xD;
	_ =	sdelay $0x1  }
0xbb: {  	v1 =	vmul.f32 v2, v1;
	_ =	sdelay $0x1  }
0xbc: {  	[tilespmem:s7+$0x50] =	vst v1;
	s3 =	spop (v2sf)  }
0xbd: {  	v1 =	vld [tilespmem:s3+$0x0];
	_ =	sdelay $0x2  }
0xbe: {  	v2 =	vbroadcast v0, $0xE;
	_ =	sdelay $0x1  }
0xbf: {  	v1 =	vmul.f32 v1, v2;
	_ =	sdelay $0x1  }
0xc0: {  	[tilespmem:s7+$0x60] =	vst v1;
	s3 =	spop (v2sf)  }
0xc1: {  	v1 =	vld [tilespmem:s3+$0x0]  }
.Ltmp1:
0xc2: {  	(pc) =	sbr.rel @p0 .LBB2_4-.Ltmp1, $3  }
0xc3: {  	_ = 	snop  }
0xc4: {  	v0 =	vbroadcast v0, $0xF;
	_ =	sdelay $0x1  }
0xc5: {  	s3 =	smov.u32 s10;
	v0 =	vmul.f32 v1, v0  }
0xc6: {  	_ = 	snop  }
0xc7: {  	s1 =	sshra.s32 s1, $0x2;
	[tilespmem:s7+$0x70] =	vst v0  }
0xc8: {  	v0 =	vld [tilespmem:s1+$0x18000];
	_ =	sdelay $0x4  }
0xc9: {  	v0 =	vshll.u32 v0, $0x6  }
0xca: {  	v0 =	vshra.s32 v0, $0x2  }
0xcb: {  	(v2sf) =	vpush v0, $0x0;
	_ =	sdelay $0x7  }
0xcc: {  	(v2sf) =	vpush v0, $0x1;
	_ =	sdelay $0x5  }
0xcd: {  	v1 =	vld [tilespmem:s1+$0x18400]  }
0xce: {  	s5 =	spop (v2sf)  }
0xcf: {  	(v2sf) =	vpush v0, $0x2;
	v2 =	vld [tilespmem:s5+$0x0];
	_ =	sdelay $0x2  }
0xd0: {  	v3 =	vbroadcast v1, $0x0;
	_ =	sdelay $0x1  }
0xd1: {  	v2 =	vmul.f32 v3, v2  }
0xd2: {  	s1 =	sadd.s32 $0x100, s7  }
0xd3: {  	s3 =	spop (v2sf);
	[tilespmem:s1+$0xFFFFFF80] =	vst v2  }
0xd4: {  	(v2sf) =	vpush v0, $0x3;
	v2 =	vld [tilespmem:s3+$0x0];
	_ =	sdelay $0x2  }
0xd5: {  	v50 =	vbroadcast v1, $0x1;
	_ =	sdelay $0x1  }
0xd6: {  	v2 =	vmul.f32 v2, v50;
	_ =	sdelay $0x1  }
0xd7: {  	s10 =	spop (v2sf);
	[tilespmem:s1+$0xFFFFFF90] =	vst v2  }
0xd8: {  	(v2sf) =	vpush v0, $0x4;
	v2 =	vld [tilespmem:s10+$0x0];
	_ =	sdelay $0x2  }
0xd9: {  	v51 =	vbroadcast v1, $0x2;
	_ =	sdelay $0x1  }
0xda: {  	v2 =	vmul.f32 v2, v51;
	_ =	sdelay $0x1  }
0xdb: {  	s12 =	spop (v2sf);
	[tilespmem:s1+$0xFFFFFFA0] =	vst v2  }
0xdc: {  	(v2sf) =	vpush v0, $0x5;
	v2 =	vld [tilespmem:s12+$0x0];
	_ =	sdelay $0x2  }
0xdd: {  	v52 =	vbroadcast v1, $0x3;
	_ =	sdelay $0x1  }
0xde: {  	v2 =	vmul.f32 v2, v52;
	_ =	sdelay $0x1  }
0xdf: {  	s16 =	spop (v2sf);
	[tilespmem:s1+$0xFFFFFFB0] =	vst v2  }
0xe0: {  	(v2sf) =	vpush v0, $0x6;
	v2 =	vld [tilespmem:s16+$0x0];
	_ =	sdelay $0x2  }
0xe1: {  	v53 =	vbroadcast v1, $0x4;
	_ =	sdelay $0x1  }
0xe2: {  	v2 =	vmul.f32 v2, v53;
	_ =	sdelay $0x1  }
0xe3: {  	s18 =	spop (v2sf);
	[tilespmem:s1+$0xFFFFFFC0] =	vst v2  }
0xe4: {  	(v2sf) =	vpush v0, $0x7;
	v2 =	vld [tilespmem:s18+$0x0];
	_ =	sdelay $0x2  }
0xe5: {  	v54 =	vbroadcast v1, $0x5;
	_ =	sdelay $0x1  }
0xe6: {  	v2 =	vmul.f32 v2, v54;
	_ =	sdelay $0x1  }
0xe7: {  	s21 =	spop (v2sf);
	[tilespmem:s1+$0xFFFFFFD0] =	vst v2  }
0xe8: {  	(v2sf) =	vpush v0, $0x8;
	v2 =	vld [tilespmem:s21+$0x0];
	_ =	sdelay $0x2  }
0xe9: {  	v55 =	vbroadcast v1, $0x6;
	_ =	sdelay $0x1  }
0xea: {  	v2 =	vmul.f32 v2, v55;
	_ =	sdelay $0x1  }
0xeb: {  	s29 =	spop (v2sf);
	[tilespmem:s1+$0xFFFFFFE0] =	vst v2  }
0xec: {  	(v2sf) =	vpush v0, $0x9;
	v2 =	vld [tilespmem:s29+$0x0];
	_ =	sdelay $0x2  }
0xed: {  	v56 =	vbroadcast v1, $0x7;
	_ =	sdelay $0x1  }
0xee: {  	v2 =	vmul.f32 v2, v56;
	_ =	sdelay $0x1  }
0xef: {  	s5 =	spop (v2sf);
	[tilespmem:s1+$0xFFFFFFF0] =	vst v2  }
0xf0: {  	(v2sf) =	vpush v0, $0xA;
	v2 =	vld [tilespmem:s5+$0x0];
	_ =	sdelay $0x2  }
0xf1: {  	v57 =	vbroadcast v1, $0x8;
	_ =	sdelay $0x1  }
0xf2: {  	v2 =	vmul.f32 v2, v57;
	_ =	sdelay $0x1  }
0xf3: {  	s7 =	spop (v2sf);
	[tilespmem:s1+$0x0] =	vst v2  }
0xf4: {  	(v2sf) =	vpush v0, $0xB;
	v2 =	vld [tilespmem:s7+$0x0];
	_ =	sdelay $0x2  }
0xf5: {  	v58 =	vbroadcast v1, $0x9;
	_ =	sdelay $0x1  }
0xf6: {  	v2 =	vmul.f32 v2, v58;
	_ =	sdelay $0x1  }
0xf7: {  	s10 =	spop (v2sf);
	[tilespmem:s1+$0x10] =	vst v2  }
0xf8: {  	(v2sf) =	vpush v0, $0xC;
	v2 =	vld [tilespmem:s10+$0x0];
	_ =	sdelay $0x2  }
0xf9: {  	v59 =	vbroadcast v1, $0xA;
	_ =	sdelay $0x1  }
0xfa: {  	v2 =	vmul.f32 v2, v59;
	_ =	sdelay $0x1  }
0xfb: {  	s12 =	spop (v2sf);
	[tilespmem:s1+$0x20] =	vst v2  }
0xfc: {  	(v2sf) =	vpush v0, $0xD;
	v2 =	vld [tilespmem:s12+$0x0];
	_ =	sdelay $0x2  }
0xfd: {  	v60 =	vbroadcast v1, $0xB;
	_ =	sdelay $0x1  }
0xfe: {  	v2 =	vmul.f32 v2, v60;
	_ =	sdelay $0x1  }
0xff: {  	s16 =	spop (v2sf);
	[tilespmem:s1+$0x30] =	vst v2  }
0x100: {  	(v2sf) =	vpush v0, $0xE;
	v2 =	vld [tilespmem:s16+$0x0];
	_ =	sdelay $0x2  }
0x101: {  	v61 =	vbroadcast v1, $0xC;
	_ =	sdelay $0x1  }
0x102: {  	v2 =	vmul.f32 v2, v61;
	_ =	sdelay $0x1  }
0x103: {  	s18 =	spop (v2sf);
	[tilespmem:s1+$0x40] =	vst v2  }
0x104: {  	(v2sf) =	vpush v0, $0xF;
	v2 =	vld [tilespmem:s18+$0x0];
	_ =	sdelay $0x2  }
0x105: {  	v62 =	vbroadcast v1, $0xD;
	_ =	sdelay $0x1  }
0x106: {  	v0 =	vmul.f32 v2, v62;
	_ =	sdelay $0x1  }
0x107: {  	s21 =	spop (v2sf);
	[tilespmem:s1+$0x50] =	vst v0  }
0x108: {  	v0 =	vld [tilespmem:s21+$0x0];
	_ =	sdelay $0x2  }
0x109: {  	v63 =	vbroadcast v1, $0xE;
	_ =	sdelay $0x1  }
0x10a: {  	v0 =	vmul.f32 v0, v63;
	_ =	sdelay $0x1  }
0x10b: {  	s29 =	spop (v2sf);
	[tilespmem:s1+$0x60] =	vst v0  }
0x10c: {  	v0 =	vld [tilespmem:s29+$0x0];
	_ =	sdelay $0x2  }
0x10d: {  	v1 =	vbroadcast v1, $0xF;
	_ =	sdelay $0x1  }
0x10e: {  	s0 =	sadd.s32 $0x1, s0;
	v0 =	vmul.f32 v0, v1  }
0x10f: {  	p0 =	sne.s32 s0, $0x29  }
.Ltmp2:
0x110: {  	[tilespmem:s1+$0x70] =	vst v0;
	(pc) =	sbr.rel @p0 .LBB2_3-.Ltmp2, $4  }
0x111: {  	[spmem:s2] =	stream.indirect.scatter.add.f32 [tilespmem:s28], [sflag:$0x1], $0x10, s25, s26, $0xb8;
	[tilespmem:$0x1FC00] =	vst v63  }
0x112: {  	_ =	swait.ge [sflag:s17], $0x4000  }
0x113: {  	[sflag:s17] =	ssyncset.done $0x0  }
0x114: {  	[sflag:s17] =	ssyncadd.s32 $0xFFFFC000  }
.LBB2_6:
0x115: {  	[bflag:$0x0] =	sbarrier.arrive $0xFFFF;
	s0 =	simm.s32 $0x10000  }
0x116: {  	[tilespmem:s0], [sflag:$0x1] =	stream.linear.gather [spmem:s11], $0x4000, $0x38;
	[tilespmem:$0x1FC00] =	vst v63  }
0x117: {  	_ =	swait.ge [sflag:s17], $0x4000  }
0x118: {  	[sflag:s17] =	ssyncset.done $0x0  }
0x119: {  	s29 =	simm.s32 $0x0;
	[sflag:s17] =	ssyncadd.s32 $0xFFFFC000  }
0x11a: {  	v0 =	vld [tilespmem:s29+$0x10000]  }
0x11b: {  	v1 =	vld [tilespmem:s29+$0x12000];
	_ =	sdelay $0x1  }
0x11c: {  	v2 =	vld [tilespmem:s29+$0x11000];
	_ =	sdelay $0x1  }
0x11d: {  	v0 =	vsub.f32 $0.0e+00, v0  }
0x11e: {  	v1 =	vmul.f32 $-2.000000000e+00, v1  }
0x11f: {  	v3 =	vld [tilespmem:s29+$0x13000];
	v0 =	vmul.f32 $1.442695020e+00, v0  }
0x120: {  	v2 =	vsub.f32 $0.0e+00, v2;
	v1 =	vmul.f32 $1.442695020e+00, v1  }
0x121: {  	(erf) = vpow2.f32 v0  }
0x122: {  	s10 =	simm.s32 $0x10;
	v0 =	vmul.f32 $1.442695020e+00, v2;
	(erf) = vpow2.f32 v1  }
0x123: {  	v1 =	vld [tilespmem:s10+$0x10000]  }
0x124: {  	v2 =	vld [tilespmem:s10+$0x12000];
	(erf) = vpow2.f32 v0;
	v0 =	vsub.f32 $0.0e+00, v3;
	_ =	sdelay $0x1  }
0x125: {  	v0 =	vmul.f32 $1.442695020e+00, v0  }
0x126: {  	v3 =	vld [tilespmem:s10+$0x11000]  }
0x127: {  	v1 =	vsub.f32 $0.0e+00, v1  }
0x128: {  	v2 =	vmul.f32 $-2.000000000e+00, v2  }
0x129: {  	v4 =	vld [tilespmem:s10+$0x13000];
	(erf) = vpow2.f32 v0;
	v1 =	vmul.f32 $1.442695020e+00, v1;
	v0 =	vpop (erf)  }
0x12a: {  	v2 =	vmul.f32 $1.442695020e+00, v2;
	v5 =	vpop (erf)  }
0x12b: {  	v3 =	vsub.f32 $0.0e+00, v3;
	(erf) = vpow2.f32 v1;
	v1 =	vadd.f32 $1.000000000e+00, v5  }
0x12c: {  	(erf) = vpow2.f32 v2  }
0x12d: {  	s18 =	simm.s32 $0x20;
	v3 =	vmul.f32 $1.442695020e+00, v3;
	(erf) = vrcp.f32 v1  }
0x12e: {  	v4 =	vsub.f32 $0.0e+00, v4;
	v0 =	vadd.f32 $1.000000000e+00, v0;
	v2 =	vpop (erf);
	v1 =	vld [tilespmem:s18+$0x10000]  }
0x12f: {  	v2 =	vadd.f32 $1.000000000e+00, v2;
	(erf) = vpow2.f32 v3;
	v3 =	vld [tilespmem:s18+$0x12000]  }
0x130: {  	(erf) = vrcp.f32 v0;
	v0 =	vmul.f32 $1.442695020e+00, v4;
	v4 =	vld [tilespmem:s18+$0x11000]  }
0x131: {  	(erf) = vrcp.f32 v2;
	v2 =	vld [tilespmem:s18+$0x13000]  }
0x132: {  	v5 =	vpop (erf)  }
0x133: {  	(erf) = vpow2.f32 v0;
	v0 =	vadd.f32 $1.000000000e+00, v5;
	v1 =	vsub.f32 $0.0e+00, v1  }
0x134: {  	v3 =	vmul.f32 $-2.000000000e+00, v3;
	v5 =	vpop (erf)  }
0x135: {  	(erf) = vrcp.f32 v0;
	v1 =	vmul.f32 $1.442695020e+00, v1;
	v6 =	vpop (erf)  }
0x136: {  	v4 =	vsub.f32 $0.0e+00, v4;
	v3 =	vmul.f32 $1.442695020e+00, v3;
	v0 =	vsub.f32 $0.0e+00, v2;
	v2 =	vpop (erf)  }
0x137: {  	s0 =	simm.s32 $0x30;
	(erf) = vpow2.f32 v1;
	v1 =	vadd.f32 $1.000000000e+00, v6;
	v2 =	vadd.f32 v2, v2  }
0x138: {  	v4 =	vmul.f32 $1.442695020e+00, v4;
	v6 =	vpop (erf);
	(erf) = vpow2.f32 v3;
	v3 =	vld [tilespmem:s0+$0x10000]  }
0x139: {  	v2 =	vadd.f32 $-1.000000000e+00, v2  }
0x13a: {  	v5 =	vadd.f32 $1.000000000e+00, v5;
	(erf) = vrcp.f32 v1  }
0x13b: {  	v7 =	vld [tilespmem:s29+$0x18C00];
	v6 =	vadd.f32 $1.000000000e+00, v6;
	(erf) = vpow2.f32 v4;
	v1 =	vpop (erf)  }
0x13c: {  	v8 =	vld [tilespmem:s0+$0x12000];
	(erf) = vrcp.f32 v5;
	v4 =	vpop (erf)  }
0x13d: {  	v1 =	vmul.f32 v2, v1;
	v2 =	vpop (erf);
	(erf) = vrcp.f32 v6;
	v6 =	vsub.f32 $0.0e+00, v3  }
0x13e: {  	v5 =	vld [tilespmem:s0+$0x11000];
	v2 =	vadd.f32 $1.000000000e+00, v2  }
0x13f: {  	v0 =	vmul.f32 $1.442695020e+00, v0;
	v6 =	vmul.f32 $1.442695020e+00, v6  }
0x140: {  	v4 =	vmul.f32 v4, v7;
	v3 =	vpop (erf)  }
0x141: {  	(erf) = vpow2.f32 v0;
	v0 =	vmul.f32 $-2.000000000e+00, v8;
	v7 =	vpop (erf)  }
0x142: {  	v1 =	vadd.f32 v1, v4;
	(erf) = vrcp.f32 v2;
	v2 =	vpop (erf)  }
0x143: {  	v4 =	vld [tilespmem:s0+$0x13000];
	v5 =	vsub.f32 $0.0e+00, v5;
	v0 =	vmul.f32 $1.442695020e+00, v0;
	(erf) = vpow2.f32 v6;
	v6 =	vpop (erf)  }
0x144: {  	v2 =	vadd.f32 $1.000000000e+00, v2;
	v6 =	vadd.f32 v6, v6  }
0x145: {  	[tilespmem:s29+$0x18C00] =	vst v1;
	v5 =	vmul.f32 $1.442695020e+00, v5  }
0x146: {  	s31 =	simm.s32 $0x40;
	v8 =	vld [tilespmem:s10+$0x18C00];
	(erf) = vpow2.f32 v0;
	v6 =	vadd.f32 $-1.000000000e+00, v6  }
0x147: {  	v1 =	vmul.f32 $-2.000000000e+00, v1;
	v7 =	vadd.f32 $1.000000000e+00, v7;
	v9 =	vld [tilespmem:s31+$0x10000];
	v0 =	vpop (erf);
	(erf) = vrcp.f32 v2  }
0x148: {  	v10 =	vld [tilespmem:s31+$0x12000];
	v4 =	vsub.f32 $0.0e+00, v4;
	v0 =	vadd.f32 $1.000000000e+00, v0;
	(erf) = vpow2.f32 v5;
	v2 =	vpop (erf)  }
0x149: {  	(erf) = vrcp.f32 v7;
	v5 =	vpop (erf);
	v2 =	vmul.f32 v6, v2  }
0x14a: {  	v7 =	vld [tilespmem:s31+$0x11000];
	v6 =	vpop (erf);
	(erf) = vrcp.f32 v0;
	v0 =	vmul.f32 $1.442695020e+00, v4  }
0x14b: {  	v1 =	vmul.f32 $1.442695020e+00, v1;
	v5 =	vmul.f32 v5, v8  }
0x14c: {  	v8 =	vsub.f32 $0.0e+00, v9;
	v6 =	vadd.f32 $1.000000000e+00, v6  }
0x14d: {  	v5 =	vadd.f32 v2, v5;
	(erf) = vpow2.f32 v1;
	v1 =	vmul.f32 $-2.000000000e+00, v10;
	v2 =	vpop (erf)  }
0x14e: {  	v8 =	vmul.f32 $1.442695020e+00, v8;
	(erf) = vpow2.f32 v0;
	v0 =	vpop (erf)  }
0x14f: {  	v1 =	vmul.f32 $1.442695020e+00, v1;
	(erf) = vrcp.f32 v6;
	v6 =	vsub.f32 $0.0e+00, v7;
	v9 =	vpop (erf)  }
0x150: {  	v4 =	vld [tilespmem:s31+$0x13000];
	[tilespmem:s10+$0x18C00] =	vst v5;
	(erf) = vpow2.f32 v8;
	v8 =	vadd.f32 $1.000000000e+00, v9;
	v9 =	vpop (erf)  }
0x151: {  	v7 =	vld [tilespmem:s18+$0x18C00];
	v6 =	vmul.f32 $1.442695020e+00, v6;
	v9 =	vadd.f32 v9, v9  }
0x152: {  	s7 =	simm.s32 $0x50;
	(erf) = vpow2.f32 v1  }
0x153: {  	v10 =	vld [tilespmem:s7+$0x10000];
	v0 =	vadd.f32 $1.000000000e+00, v0;
	v1 =	vpop (erf);
	(erf) = vrcp.f32 v8;
	v9 =	vadd.f32 $-1.000000000e+00, v9  }
0x154: {  	v5 =	vmul.f32 $-2.000000000e+00, v5;
	v1 =	vadd.f32 $1.000000000e+00, v1;
	(erf) = vpow2.f32 v6;
	v8 =	vpop (erf)  }
0x155: {  	v4 =	vsub.f32 $0.0e+00, v4;
	(erf) = vrcp.f32 v0;
	v6 =	vpop (erf);
	v0 =	vmul.f32 v9, v8  }
0x156: {  	v11 =	vld [tilespmem:s7+$0x12000];
	v5 =	vmul.f32 $1.442695020e+00, v5;
	v6 =	vmul.f32 v6, v7;
	v7 =	vpop (erf)  }
0x157: {  	v4 =	vmul.f32 $1.442695020e+00, v4;
	v8 =	vld [tilespmem:s7+$0x11000];
	(erf) = vrcp.f32 v1;
	v7 =	vadd.f32 $1.000000000e+00, v7  }
0x158: {  	(erf) = vpow2.f32 v5;
	v1 =	vpop (erf);
	v5 =	vadd.f32 v0, v6;
	v6 =	vsub.f32 $0.0e+00, v10  }
0x159: {  	(erf) = vpow2.f32 v4;
	v0 =	vpop (erf)  }
0x15a: {  	v1 =	vadd.f32 $1.000000000e+00, v1;
	v10 =	vpop (erf);
	(erf) = vrcp.f32 v7  }
0x15b: {  	v4 =	vld [tilespmem:s7+$0x13000];
	v7 =	vmul.f32 $-2.000000000e+00, v5;
	[tilespmem:s18+$0x18C00] =	vst v5;
	v5 =	vmul.f32 $1.442695020e+00, v6  }
0x15c: {  	v9 =	vmul.f32 $-2.000000000e+00, v11;
	v8 =	vsub.f32 $0.0e+00, v8;
	v6 =	vpop (erf);
	(erf) = vrcp.f32 v1  }
0x15d: {  	(erf) = vpow2.f32 v5;
	v5 =	vadd.f32 $1.000000000e+00, v6  }
0x15e: {  	v9 =	vmul.f32 $1.442695020e+00, v9;
	v11 =	vld [tilespmem:s0+$0x18C00];
	v8 =	vmul.f32 $1.442695020e+00, v8;
	v1 =	vpop (erf)  }
0x15f: {  	v1 =	vadd.f32 v1, v1  }
0x160: {  	v6 =	vpop (erf);
	(erf) = vpow2.f32 v9  }
0x161: {  	(erf) = vrcp.f32 v5;
	v1 =	vadd.f32 $-1.000000000e+00, v1;
	v5 =	vpop (erf)  }
0x162: {  	v9 =	vmul.f32 $1.442695020e+00, v7;
	(erf) = vpow2.f32 v8;
	v8 =	vpop (erf)  }
0x163: {  	s16 =	simm.s32 $0x60;
	v7 =	vadd.f32 $1.000000000e+00, v10;
	v1 =	vmul.f32 v1, v5;
	v8 =	vmul.f32 v8, v11  }
0x164: {  	v12 =	vld [tilespmem:s16+$0x10000];
	v4 =	vsub.f32 $0.0e+00, v4;
	v6 =	vadd.f32 $1.000000000e+00, v6  }
0x165: {  	(erf) = vrcp.f32 v7;
	v5 =	vld [tilespmem:s16+$0x12000];
	v10 =	vpop (erf);
	v1 =	vadd.f32 v1, v8  }
0x166: {  	v13 =	vmul.f32 $1.442695020e+00, v4;
	v4 =	vld [tilespmem:s16+$0x13000];
	(erf) = vrcp.f32 v6;
	v11 =	vpop (erf)  }
0x167: {  	(erf) = vpow2.f32 v9;
	v7 =	vadd.f32 $1.000000000e+00, v10;
	v10 =	vpop (erf);
	v8 =	vld [tilespmem:s16+$0x11000]  }
0x168: {  	s1 =	simm.s32 $0x1C0;
	(erf) = vpow2.f32 v13;
	v10 =	vadd.f32 v10, v10  }
0x169: {  	s21 =	simm.s32 $0x200;
	s3 =	simm.s32 $0x240;
	s5 =	simm.s32 $0x280;
	v6 =	vadd.f32 $1.000000000e+00, v11;
	v11 =	vsub.f32 $0.0e+00, v12;
	v9 =	vmul.f32 $-2.000000000e+00, v1;
	[tilespmem:s0+$0x18C00] =	vst v1;
	v1 =	vpop (erf)  }
.LBB2_7:
0x16a: {  	p0 =	sne.s32 s5, $0x3FC0;
	v5 =	vmul.f32 $-2.000000000e+00, v5;
	v12 =	vpop (erf);
	(erf) = vrcp.f32 v7;
	v7 =	vadd.f32 $-1.000000000e+00, v10  }
0x16b: {  	v10 =	vmul.f32 $1.442695020e+00, v11;
	v4 =	vsub.f32 $0.0e+00, v4;
	v11 =	vpop (erf);
	v9 =	vmul.f32 $1.442695020e+00, v9  }
0x16c: {  	v8 =	vsub.f32 $0.0e+00, v8;
	v5 =	vmul.f32 $1.442695020e+00, v5;
	v13 =	vld [tilespmem:s31+$0x18C00];
	(erf) = vrcp.f32 v6;
	v6 =	vpop (erf)  }
0x16d: {  	v16 =	vadd.f32 $1.000000000e+00, v11;
	(erf) = vpow2.f32 v10;
	v11 =	vpop (erf);
	v15 =	vadd.f32 v6, v6  }
0x16e: {  	v8 =	vmul.f32 $1.442695020e+00, v8;
	(erf) = vpow2.f32 v5  }
0x16f: {  	s12 =	sshra.s32 s1, $0x2;
	s1 =	smov.u32 s21;
	s21 =	smov.u32 s3;
	v14 =	vmul.f32 $1.442695020e+00, v4;
	(erf) = vrcp.f32 v16;
	v4 =	vadd.f32 $-1.000000000e+00, v15;
	v6 =	vpop (erf)  }
0x170: {  	s3 =	smov.u32 s5;
	v16 =	vmul.f32 v7, v3;
	v15 =	vld [tilespmem:s12+$0x10000];
	(erf) = vpow2.f32 v8;
	v8 =	vadd.f32 $1.000000000e+00, v12;
	v10 =	vpop (erf)  }
.Ltmp3:
0x171: {  	v11 =	vadd.f32 $1.000000000e+00, v11;
	v5 =	vld [tilespmem:s12+$0x12000];
	v10 =	vmul.f32 v10, v13;
	v12 =	vmul.f32 v4, v6;
	v6 =	vpop (erf);
	(pc) =	sbr.rel @p0 .LBB2_7-.Ltmp3, $4  }
0x172: {  	v3 =	vmov v2;
	v4 =	vld [tilespmem:s12+$0x13000];
	(erf) = vrcp.f32 v8;
	v13 =	vpop (erf);
	v7 =	vadd.f32 $1.000000000e+00, v6;
	[tilespmem:s29+$0x19C00] =	vst v16;
	s29 =	smov.u32 s10;
	s10 =	smov.u32 s18;
	s18 =	smov.u32 s0  }
0x173: {  	s0 =	smov.u32 s31;
	s31 =	smov.u32 s7;
	s7 =	smov.u32 s16;
	v8 =	vld [tilespmem:s12+$0x11000];
	v6 =	vadd.f32 $1.000000000e+00, v13;
	(erf) = vrcp.f32 v11;
	v12 =	vadd.f32 v12, v10;
	v2 =	vpop (erf)  }
0x174: {  	s16 =	smov.u32 s12;
	(erf) = vpow2.f32 v9;
	v10 =	vadd.f32 v2, v2;
	v2 =	vmovc v0;
	v0 =	vmov v1  }
0x175: {  	s5 =	sadd.s32 $0x40, s5;
	v11 =	vsub.f32 $0.0e+00, v15;
	(erf) = vpow2.f32 v14;
	v9 =	vmul.f32 $-2.000000000e+00, v12;
	[tilespmem:s0+$0x18C00] =	vst v12;
	v1 =	vpop (erf)  }
0x176: {  	v5 =	vmul.f32 $-2.000000000e+00, v5;
	v12 =	vpop (erf);
	(erf) = vrcp.f32 v7  }
0x177: {  	v13 =	vld [tilespmem:s31+$0x18C00];
	v10 =	vadd.f32 $-1.000000000e+00, v10;
	s1 =	sshra.s32 s1, $0x2;
	v52 =	vmul.f32 $1.442695020e+00, v11;
	v53 =	vpop (erf);
	(erf) = vrcp.f32 v6  }
0x178: {  	v4 =	vsub.f32 $0.0e+00, v4;
	v62 =	vld [tilespmem:s1+$0x12000];
	v8 =	vsub.f32 $0.0e+00, v8;
	v5 =	vmul.f32 $1.442695020e+00, v5  }
0x179: {  	v59 =	vld [tilespmem:s1+$0x10000];
	v54 =	vpop (erf);
	v55 =	vadd.f32 $1.000000000e+00, v53;
	v3 =	vmul.f32 v10, v3;
	(erf) = vpow2.f32 v52  }
0x17a: {  	v63 =	vld [tilespmem:s1+$0x13000];
	v6 =	vadd.f32 v54, v54;
	v56 =	vpop (erf);
	v8 =	vmul.f32 $1.442695020e+00, v8;
	(erf) = vpow2.f32 v5  }
0x17b: {  	v60 =	vadd.f32 $1.000000000e+00, v12;
	v9 =	vmul.f32 $1.442695020e+00, v9;
	(erf) = vrcp.f32 v55;
	v58 =	vpop (erf)  }
0x17c: {  	v15 =	vmul.f32 $1.442695020e+00, v4;
	[tilespmem:s29+$0x19C00] =	vst v3;
	v57 =	vadd.f32 $-1.000000000e+00, v6;
	(erf) = vpow2.f32 v8;
	v61 =	vpop (erf)  }
0x17d: {  	v11 =	vadd.f32 $1.000000000e+00, v56;
	v17 =	vld [tilespmem:s1+$0x11000];
	v10 =	vmul.f32 $-2.000000000e+00, v62;
	v12 =	vmul.f32 v61, v13  }
0x17e: {  	v7 =	vsub.f32 $0.0e+00, v59;
	v5 =	vmul.f32 v57, v58;
	v14 =	vpop (erf);
	(erf) = vrcp.f32 v60  }
0x17f: {  	v30 =	vsub.f32 $0.0e+00, v63;
	(erf) = vrcp.f32 v11;
	v6 =	vadd.f32 $1.000000000e+00, v14  }
0x180: {  	v16 =	vpop (erf);
	v21 =	vmul.f32 $1.442695020e+00, v7;
	v24 =	vmul.f32 $1.442695020e+00, v10;
	v5 =	vadd.f32 v5, v12  }
0x181: {  	v37 =	vmul.f32 $1.442695020e+00, v30;
	v18 =	vpop (erf);
	(erf) = vpow2.f32 v9;
	v4 =	vadd.f32 $1.000000000e+00, v16  }
0x182: {  	s12 =	sshra.s32 s21, $0x2;
	(erf) = vpow2.f32 v15;
	v3 =	vpop (erf);
	v11 =	vadd.f32 v18, v18;
	v23 =	vsub.f32 $0.0e+00, v17;
	[tilespmem:s31+$0x18C00] =	vst v5  }
0x183: {  	v19 =	vmul.f32 $-2.000000000e+00, v5;
	v20 =	vpop (erf);
	(erf) = vrcp.f32 v6;
	v35 =	vld [tilespmem:s12+$0x12000]  }
0x184: {  	v25 =	vld [tilespmem:s7+$0x18C00];
	v28 =	vadd.f32 $-1.000000000e+00, v11;
	v7 =	vmul.f32 $1.442695020e+00, v23;
	v22 =	vpop (erf);
	(erf) = vrcp.f32 v4  }
0x185: {  	v32 =	vld [tilespmem:s12+$0x10000];
	v33 =	vadd.f32 $1.000000000e+00, v20;
	v26 =	vpop (erf);
	(erf) = vpow2.f32 v21;
	v27 =	vadd.f32 $1.000000000e+00, v22  }
0x186: {  	v36 =	vld [tilespmem:s12+$0x13000];
	v2 =	vmul.f32 v28, v2;
	v4 =	vadd.f32 v26, v26;
	v29 =	vpop (erf);
	(erf) = vpow2.f32 v24  }
0x187: {  	v9 =	vmul.f32 $1.442695020e+00, v19;
	(erf) = vrcp.f32 v27;
	v31 =	vpop (erf);
	v11 =	vadd.f32 $1.000000000e+00, v29  }
0x188: {  	[tilespmem:s10+$0x19C00] =	vst v2;
	v4 =	vadd.f32 $-1.000000000e+00, v4;
	(erf) = vpow2.f32 v7;
	v34 =	vpop (erf);
	v6 =	vmul.f32 $-2.000000000e+00, v35  }
0x189: {  	v39 =	vld [tilespmem:s12+$0x11000];
	v10 =	vmul.f32 v34, v25;
	(erf) = vrcp.f32 v33  }
0x18a: {  	v42 =	vsub.f32 $0.0e+00, v32;
	v38 =	vpop (erf);
	v4 =	vmul.f32 v4, v31;
	(erf) = vrcp.f32 v11  }
0x18b: {  	v51 =	vsub.f32 $0.0e+00, v36;
	v40 =	vpop (erf);
	v5 =	vadd.f32 $1.000000000e+00, v38;
	(erf) = vpow2.f32 v9  }
0x18c: {  	v45 =	vmul.f32 $1.442695020e+00, v42;
	v4 =	vadd.f32 v4, v10;
	v41 =	vpop (erf);
	(erf) = vpow2.f32 v37  }
0x18d: {  	v6 =	vmul.f32 $1.442695020e+00, v6;
	v8 =	vadd.f32 $1.000000000e+00, v40;
	v2 =	vpop (erf);
	v9 =	vadd.f32 v41, v41  }
0x18e: {  	v10 =	vmul.f32 $1.442695020e+00, v51;
	(erf) = vrcp.f32 v5;
	v7 =	vsub.f32 $0.0e+00, v39;
	[tilespmem:s7+$0x18C00] =	vst v4;
	v44 =	vpop (erf)  }
0x18f: {  	s3 =	sshra.s32 s3, $0x2;
	v43 =	vmul.f32 $-2.000000000e+00, v4;
	(erf) = vrcp.f32 v8;
	v46 =	vpop (erf);
	v47 =	vld [tilespmem:s16+$0x18C00];
	v48 =	vadd.f32 $-1.000000000e+00, v9  }
0x190: {  	(erf) = vpow2.f32 v45;
	v7 =	vmul.f32 $1.442695020e+00, v7;
	v55 =	vld [tilespmem:s3+$0x10000];
	v49 =	vpop (erf);
	v50 =	vadd.f32 $1.000000000e+00, v46  }
0x191: {  	v57 =	vld [tilespmem:s3+$0x12000];
	v53 =	vmul.f32 $1.442695020e+00, v43;
	v52 =	vpop (erf);
	(erf) = vpow2.f32 v6;
	v9 =	vadd.f32 v49, v49  }
0x192: {  	v4 =	vadd.f32 $1.000000000e+00, v44;
	v0 =	vmul.f32 v48, v0;
	(erf) = vrcp.f32 v50;
	v54 =	vpop (erf)  }
0x193: {  	v12 =	vadd.f32 $1.000000000e+00, v52;
	(erf) = vpow2.f32 v7;
	v56 =	vpop (erf);
	v9 =	vadd.f32 $-1.000000000e+00, v9  }
0x194: {  	v58 =	vld [tilespmem:s3+$0x13000];
	[tilespmem:s18+$0x19C00] =	vst v0;
	v7 =	vmul.f32 v56, v47;
	(erf) = vrcp.f32 v4;
	v59 =	vpop (erf)  }
0x195: {  	v62 =	vld [tilespmem:s3+$0x11000];
	v63 =	vsub.f32 $0.0e+00, v55;
	v60 =	vmul.f32 v9, v54;
	v61 =	vpop (erf);
	(erf) = vrcp.f32 v12  }
0x196: {  	v8 =	vmul.f32 $-2.000000000e+00, v57;
	v4 =	vadd.f32 $1.000000000e+00, v59;
	(erf) = vpow2.f32 v53  }
0x197: {  	v5 =	vadd.f32 $1.000000000e+00, v61;
	v12 =	vpop (erf);
	v0 =	vadd.f32 v60, v7;
	(erf) = vpow2.f32 v10  }
0x198: {  	v15 =	vmul.f32 $1.442695020e+00, v63;
	v14 =	vpop (erf);
	(erf) = vrcp.f32 v4  }
0x199: {  	v8 =	vmul.f32 $1.442695020e+00, v8;
	v16 =	vpop (erf);
	[tilespmem:s16+$0x18C00] =	vst v0;
	(erf) = vrcp.f32 v5  }
0x19a: {  	v9 =	vsub.f32 $0.0e+00, v62;
	v17 =	vpop (erf);
	v18 =	vld [tilespmem:s1+$0x18C00];
	(erf) = vpow2.f32 v15  }
0x19b: {  	v19 =	vpop (erf);
	v5 =	vadd.f32 $1.000000000e+00, v17;
	(erf) = vpow2.f32 v8  }
0x19c: {  	v7 =	vadd.f32 v12, v12;
	v9 =	vmul.f32 $1.442695020e+00, v9;
	v20 =	vpop (erf);
	v4 =	vadd.f32 v19, v19  }
0x19d: {  	v0 =	vmul.f32 $-2.000000000e+00, v0;
	v6 =	vadd.f32 $1.000000000e+00, v16;
	(erf) = vrcp.f32 v5;
	v21 =	vpop (erf)  }
0x19e: {  	v8 =	vadd.f32 $1.000000000e+00, v20;
	v4 =	vadd.f32 $-1.000000000e+00, v4;
	(erf) = vpow2.f32 v9;
	v22 =	vpop (erf)  }
0x19f: {  	v7 =	vadd.f32 $-1.000000000e+00, v7;
	v9 =	vmul.f32 v22, v18;
	v23 =	vpop (erf);
	(erf) = vrcp.f32 v6  }
0x1a0: {  	v24 =	vsub.f32 $0.0e+00, v58;
	v4 =	vmul.f32 v4, v21;
	v25 =	vpop (erf);
	(erf) = vrcp.f32 v8  }
0x1a1: {  	v0 =	vmul.f32 $1.442695020e+00, v0;
	v1 =	vmul.f32 v7, v1;
	v26 =	vpop (erf)  }
0x1a2: {  	v6 =	vmul.f32 $1.442695020e+00, v24;
	v4 =	vadd.f32 v4, v9;
	v27 =	vpop (erf)  }
0x1a3: {  	[tilespmem:s0+$0x19C00] =	vst v1;
	v28 =	vadd.f32 $1.000000000e+00, v23;
	(erf) = vpow2.f32 v0;
	v29 =	vpop (erf)  }
0x1a4: {  	v30 =	vadd.f32 $1.000000000e+00, v25;
	(erf) = vpow2.f32 v6;
	[tilespmem:s1+$0x18C00] =	vst v4;
	v31 =	vpop (erf)  }
0x1a5: {  	(erf) = vrcp.f32 v28;
	v32 =	vld [tilespmem:s12+$0x18C00];
	v5 =	vadd.f32 $1.000000000e+00, v31  }
0x1a6: {  	(erf) = vrcp.f32 v30;
	v33 =	vpop (erf)  }
0x1a7: {  	v34 =	vpop (erf);
	v1 =	vadd.f32 v33, v33;
	(erf) = vrcp.f32 v5  }
0x1a8: {  	v35 =	vadd.f32 v26, v26;
	v0 =	vadd.f32 $1.000000000e+00, v29;
	v36 =	vpop (erf)  }
0x1a9: {  	v9 =	vadd.f32 $1.000000000e+00, v34;
	v1 =	vadd.f32 $-1.000000000e+00, v1;
	v37 =	vpop (erf)  }
0x1aa: {  	v5 =	vadd.f32 $-1.000000000e+00, v35;
	(erf) = vrcp.f32 v0;
	v6 =	vmul.f32 v37, v32  }
0x1ab: {  	(erf) = vrcp.f32 v9;
	v38 =	vmul.f32 v1, v36  }
0x1ac: {  	v39 =	vmul.f32 $-2.000000000e+00, v4;
	v3 =	vmul.f32 v5, v3;
	v40 =	vpop (erf)  }
0x1ad: {  	v41 =	vpop (erf);
	v0 =	vadd.f32 v38, v6  }
0x1ae: {  	v1 =	vmul.f32 $1.442695020e+00, v39;
	[tilespmem:s31+$0x19C00] =	vst v3;
	v42 =	vpop (erf)  }
0x1af: {  	v43 =	vpop (erf);
	[tilespmem:s12+$0x18C00] =	vst v0  }
0x1b0: {  	(erf) = vpow2.f32 v1;
	v44 =	vld [tilespmem:s3+$0x18C00];
	v45 =	vpop (erf)  }
0x1b1: {  	v7 =	vadd.f32 v45, v45;
	_ =	sdelay $0x1  }
0x1b2: {  	v46 =	vpop (erf);
	v7 =	vadd.f32 $-1.000000000e+00, v7  }
0x1b3: {  	v47 =	vpop (erf)  }
0x1b4: {  	v1 =	vmul.f32 v47, v44;
	v7 =	vmul.f32 v7, v46  }
0x1b5: {  	v4 =	vadd.f32 $1.000000000e+00, v40  }
0x1b6: {  	v0 =	vmul.f32 $-2.000000000e+00, v0;
	v1 =	vadd.f32 v7, v1  }
0x1b7: {  	v5 =	vadd.f32 $1.000000000e+00, v41;
	(erf) = vrcp.f32 v4  }
0x1b8: {  	v0 =	vmul.f32 $1.442695020e+00, v0;
	v48 =	vpop (erf);
	v7 =	vmul.f32 $-2.000000000e+00, v1  }
0x1b9: {  	(erf) = vrcp.f32 v5;
	v4 =	vadd.f32 $1.000000000e+00, v48  }
0x1ba: {  	(erf) = vpow2.f32 v0;
	v49 =	vmul.f32 $1.442695020e+00, v7  }
0x1bb: {  	(erf) = vrcp.f32 v4  }
0x1bc: {  	(erf) = vpow2.f32 v49;
	_ =	sdelay $0x4  }
0x1bd: {  	v50 =	vpop (erf)  }
0x1be: {  	v51 =	vpop (erf)  }
0x1bf: {  	v52 =	vpop (erf)  }
0x1c0: {  	v53 =	vpop (erf)  }
0x1c1: {  	v5 =	vadd.f32 $1.000000000e+00, v52;
	v54 =	vpop (erf)  }
0x1c2: {  	v9 =	vadd.f32 $1.000000000e+00, v54  }
0x1c3: {  	(erf) = vrcp.f32 v5  }
0x1c4: {  	(erf) = vrcp.f32 v9;
	_ =	sdelay $0x4  }
0x1c5: {  	v3 =	vadd.f32 v42, v42;
	_ =	sdelay $0x1  }
0x1c6: {  	v3 =	vadd.f32 $-1.000000000e+00, v3;
	v0 =	vadd.f32 v50, v50  }
0x1c7: {  	v55 =	vadd.f32 v53, v53;
	v56 =	vpop (erf)  }
0x1c8: {  	v2 =	vmul.f32 v3, v2;
	v0 =	vadd.f32 $-1.000000000e+00, v0;
	v57 =	vadd.f32 v56, v56;
	v58 =	vpop (erf)  }
0x1c9: {  	v5 =	vadd.f32 $-1.000000000e+00, v55;
	v7 =	vadd.f32 v58, v58  }
0x1ca: {  	[tilespmem:s7+$0x19C00] =	vst v2;
	v0 =	vmul.f32 v0, v14;
	v59 =	vadd.f32 $-1.000000000e+00, v57  }
0x1cb: {  	[tilespmem:s3+$0x18C00] =	vst v1;
	v60 =	vmul.f32 v5, v27;
	v61 =	vadd.f32 $-1.000000000e+00, v7  }
0x1cc: {  	[tilespmem:s16+$0x19C00] =	vst v0;
	v62 =	vmul.f32 v59, v43  }
0x1cd: {  	[tilespmem:s1+$0x19C00] =	vst v60;
	v63 =	vmul.f32 v61, v51  }
0x1ce: {  	[tilespmem:s12+$0x19C00] =	vst v62  }
0x1cf: {  	[tilespmem:s3+$0x19C00] =	vst v63  }
0x1d0: {  	[spmem:s14] =	stream.linear.scatter [tilespmem:s22], [sflag:$0x1], $0x1000, $0x38;
	[tilespmem:$0x1FC00] =	vst v63  }
0x1d1: {  	_ =	swait.ge [sflag:s17], $0x1000  }
0x1d2: {  	s21 =	sshll.u32 s30, $0x10;
	[sflag:s17] =	ssyncset.done $0x0  }
0x1d3: {  	s0 =	sadd.s32 s15, s21;
	[sflag:s17] =	ssyncadd.s32 $0xFFFFF000  }
0x1d4: {  	s0 =	sshrl.u32 s0, $0x3;
	s29 =	rddreg [dreg:$0x1]  }
0x1d5: {  	s0 =	sadd.s32 s29, s0  }
0x1d6: {  	[hbm4b:s0+s4] =	stream.linear.scatter [tilespmem:s22], [sflag:$0x1], $0x1000, $0x38;
	[tilespmem:$0x1FC00] =	vst v63  }
0x1d7: {  	_ =	swait.ge [sflag:s17], $0x1000  }
0x1d8: {  	[sflag:s17] =	ssyncset.done $0x0  }
0x1d9: {  	[sflag:s17] =	ssyncadd.s32 $0xFFFFF000  }
0x1da: {  	s30 =	sadd.s32 $0x1, s30;
	[bflag:$0x0] =	sbarrier.arrive $0xFFFF  }
0x1db: {  	p0 =	sne.s32 s30, $0x10;
	s31 =	rddreg [dreg:$0x3]  }
0x1dc: {  	[tilespmem:s4], [sflag:$0x1] =	stream.linear.gather [spmem:s31], $0x10000, $0x38;
	[tilespmem:$0x1FC00] =	vst v63  }
.Ltmp4:
0x1dd: {  	_ =	swait.ge [sflag:s17], $0x10000;
	(pc) =	sbr.rel @p0 .LBB2_2-.Ltmp4, $3  }
0x1de: {  	[sflag:s17] =	ssyncset.done $0x0  }
0x1df: {  	[sflag:s17] =	ssyncadd.s32 $0xFFFF0000  }
0x1e0: {  	[bflag:$0x0] =	sbarrier.arrive $0xFFFF;
	_ =	sdelay $0x1  }
0x1e1: {  	s1 =	rddreg [dreg:$0x9]  }
0x1e2: {  	s0 =	rddreg [dreg:$0x8];
	s1 =	sadd.s32 $0x1, s1  }
0x1e3: {  	p0 =	sne.s32 s1, s0  }
.Ltmp5:
0x1e4: {  	_ = 	snop;
	(pc) =	sbr.rel @p0 .LBB2_1-.Ltmp5, $1  }
0x1e5: {  	_ =	sdelay $0x3  }
0x1e6: {  	_ =	sfence.sel $0x180000  }
0x1e7: {  	[bflag:$0x0] =	sbarrier.arrive $0xFFFF  }
0x1e8: {  	_ =	strace $0x90000050  }
0x1e9: {  	s0 =	stileid.u32;
	[bflag:$0x2] =	sbarrier.arrive $0xFFFF  }
0x1ea: {  	p0 =	sne.s32 s0, $0x0;
	s0 =	rddreg [dreg:$0x4]  }
0x1eb: {  	s0 =	sadd.s32 @!p0 $0x100000, s0  }
0x1ec: {  	[sflag:s0] =	ssyncadd.tile.s32 @!p0 $0x1;
	_ =	shalt  }
.Lfunc_end2:
_tile_overlayer_lowered:
.L_overlay_start_2:
0x1ed: {  	(tag) =	ssettag $0x2  }
0x1ee: {  	s0 =	rddreg [dreg:$0x0];
	s2 =	stileid.u32  }
0x1ef: {  	s1 =	rddreg [dreg:$0x1];
	p0 =	sne.s32 s2, $0x0  }
0x1f0: {  	s3 =	rddreg [dreg:$0x2];
	[bflag:$0x3] =	sbarrier.arrive $0xFFFF;
	s2 =	simm.s32 @!p0 $0x1C01  }
0x1f1: {  	[timem:s3], [sflag:s2] =	dma.local @!p0 [hbm:s0], s1  }
0x1f2: {  	s0 =	simm.s32 @!p0 $0x1  }
0x1f3: {  	_ =	swait.ge @!p0 [sflag:s0], s1  }
0x1f4: {  	s1 =	ssub.s32 @!p0 $0x0, s1;
	[sflag:s0] =	ssyncset.done @!p0 $0x0  }
0x1f5: {  	[sflag:s0] =	ssyncadd.s32 @!p0 s1  }
0x1f6: {  	[bflag:$0x3] =	sbarrier.arrive $0xFFFF  }
0x1f7: {  	_ =	shalt  }

// kernel: sparse-core-data-format-call.cloned.1.call-start
scs
called_computation_lowered:
.L_overlay_start_0:
0x0: {  	s1 =	sld [smem:$0x3FD9]  }
0x1: {  	s2 =	sld [smem:$0x3FFE];
	_ =	sdelay $0x1  }
0x2: {  	s3 =	srdreg.scid  }
0x3: {  	s0 =	sand.u32 $0x1, s3  }
0x4: {  	s17 =	sshll.u32 s0, $0xA;
	s1 =	sadd.s32 s2, s1  }
0x5: {  	s1 =	sadd.s32 s1, s17  }
0x6: {  	[smem:$0x3FC2] =	sst s1  }
0x7: {  	_ = 	snop  }
0x8: {  	(tm) =	ssettm $0x1  }
0x9: {  	s18 =	sld [smem:$0x3FFB];
	_ =	sdelay $0x3  }
0xa: {  	_ =	strace s18  }
0xb: {  	s1 =	sld [smem:$0x3FFC];
	_ =	sdelay $0x3  }
0xc: {  	_ =	strace s1  }
0xd: {  	s1 =	sld [smem:$0x3FFD];
	_ =	sdelay $0x3  }
0xe: {  	_ =	strace s1  }
0xf: {  	_ =	strace $0x8FFFFFFF  }
0x10: {  	s19 =	sld [smem:$0x3FDB];
	_ =	sdelay $0x1  }
0x11: {  	s20 =	simm.s32 $_scs_section_size  }
0x12: {  	s4 =	simm.s32 $_size__tile_overlayer_lowered;
	s5 =	simm.s32 $_tile_overlayer_lowered  }
0x13: {  	s23 =	simm.s32 $0x1BFF;
	s22 =	sshll.u32 s5, $0x1;
	s1 =	sadd.s32 s20, s19  }
0x14: {  	s6 =	simm.s32 $0x0;
	s21 =	sshll.u32 s4, $0x1;
	s4 =	sadd.s32 s22, s1  }
0x15: {  	[timem:s6], [sflag:s23] =	dma.local [hbm:s4], s21  }
0x16: {  	_ =	swait.ge [sflag:s23], s21  }
0x17: {  	s2 =	ssub.s32 $0x0, s21;
	[sflag:s23] =	ssyncset.done $0x0  }
0x18: {  	[sflag:s23] =	ssyncadd.s32 s2;
	_ =	sdelay $0x1  }
0x19: {  	s24 =	simm.s32 $0x1B8B  }
0x1a: {  	_ =	swait.ge [sflag:s24], $0x1  }
0x1b: {  	[sflag:s24] =	ssyncset.done $0x0  }
0x1c: {  	s26 =	simm.s32 $0x1B8E;
	s25 =	sld [smem:$0x3FFE];
	[sflag:s24] =	ssyncadd.s32 $0xFFFFFFFF  }
0x1d: {  	s27 =	simm.s32 $execute0_lowered;
	[smem:$0x3FD2] =	sst s26  }
0x1e: {  	s4 =	sshll.u32 s27, $0x1;
	_ =	strace $0x8000004C;
	[dreg:$0x1] =	wrdreg $0xFFFFFFFF  }
0x1f: {  	s28 =	simm.s32 $_size_execute0_lowered;
	s1 =	sadd.s32 s1, s4;
	[dreg:$0x0] =	wrdreg $0x0  }
0x20: {  	s4 =	sshll.u32 s28, $0x1;
	[dreg:$0x2] =	wrdreg s1  }
0x21: {  	[dreg:$0x3] =	wrdreg s4  }
0x22: {  	[dreg:$0x4] =	wrdreg $0xC0  }
0x23: {  	_ =	task [dreg:s6], $0x5FFFF  }
0x24: {  	[dreg:$0x1] =	wrdreg $0xFFFFFFFF  }
0x25: {  	[dreg:$0x0] =	wrdreg $0x60  }
0x26: {  	[dreg:$0x2] =	wrdreg s25  }
0x27: {  	[dreg:$0x3] =	wrdreg $0x9  }
0x28: {  	_ =	task.clear_ibuf [dreg:s6], $0x4FFFF;
	_ =	strace $0x9000004C  }
0x29: {  	s29 =	simm.s32 $0x9;
	_ =	strace $0x8000004E  }
0x2a: {  	_ =	swait.ge [sflag:s29], $0x1  }
0x2b: {  	[sflag:s29] =	ssyncadd.s32 $0xFFFFFFFF  }
0x2c: {  	_ =	strace $0x9000004E  }
0x2d: {  	_ =	sfence  }
0x2e: {  	s30 =	sld [smem:$0x0];
	_ =	sdelay $0x2  }
0x2f: {  	s31 =	sshll.u32 s3, $0xD;
	s3 =	sshrl.u32 s3, $0x2  }
0x30: {  	s2 =	sand.u32 $0x4000, s31;
	s1 =	sadd.s32 s3, s30  }
0x31: {  	s0 =	sor.u32 s2, s0;
	s1 =	sshll.u32 s1, $0x11  }
0x32: {  	s0 =	sor.u32 s1, s0  }
0x33: {  	s0 =	sadd.s32 $0x8F2B, s0  }
0x34: {  	[sflag:s0] =	ssyncadd.remote.s32 $0x1  }
0x35: {  	_ =	sfence.sel $0xFFFF  }
0x36: {  	[dreg:$0x0] =	wrdreg $0xFFFFFFFF;
	(pc) =	sbr.abs _section_cstart, $3  }
0x37: {  	[dreg:$0x1] =	wrdreg $0xFFFFFFFF  }
0x38: {  	_ =	task.clear_ibuf [dreg:s6], $0x2FFFF;
	_ =	strace $0x9FFFFFFF  }
0x39: {  	(tm) =	ssettm $0x7FFFFFFF  }
tec
execute0_lowered:
.L_overlay_start_1:
0x0: {  	(tag) =	ssettag $0x1  }
0x1: {  	s0 =	rddreg [dreg:$0x0]  }
0x2: {  	_ =	strace $0x8000004D;
	s4 =	stileid.u32;
	s25 =	srdreg.scid  }
0x3: {  	s7 =	simm.s32 $0x1;
	s29 =	simm.s32 $0x2;
	s17 =	simm.s32 $0x80  }
0x4: {  	s24 =	simm.s32 $0x0;
	s23 =	simm.s32 $0x0;
	s20 =	simm.s32 $0x0  }
0x5: {  	s22 =	simm.s32 $0x0;
	s2 =	sadd.s32 $0x2000, s0;
	s1 =	sadd.s32 $0x102000, s0  }
0x6: {  	s3 =	sshll.u32 s4, $0x2;
	s6 =	sshll.u32 s4, $0x5;
	s4 =	sand.u32 $0x1, s4  }
0x7: {  	[sflag:s7] =	ssyncpa.u1 $0x0;
	s30 =	sadd.s32 $0x142000, s0;
	s31 =	sadd.s32 $0x182000, s0  }
0x8: {  	s11 =	sadd.s32 $0x1C2000, s0;
	s12 =	sadd.s32 $0x202000, s0;
	s13 =	sadd.s32 $0x242000, s0  }
0x9: {  	s14 =	sadd.s32 $0x282000, s0;
	s15 =	sadd.s32 $0x2C2000, s0;
	[dreg:$0x2] =	wrdreg s1  }
0xa: {  	s1 =	sshll.u32 s25, $0x9;
	s5 =	sand.u32 $0x8, s3;
	s26 =	ssub.s32 $0x2, s4  }
0xb: {  	s1 =	sor.u32 s6, s1;
	s27 =	sshrl.u32 s26, $0x1;
	s8 =	ssub.s32 $0x10, s5  }
0xc: {  	s6 =	sand.u32 $0x380, s1;
	s1 =	sand.u32 $0x1, s26;
	s28 =	sshrl.u32 s8, $0x3  }
0xd: {  	s8 =	sshrl.u32 s8, $0x4;
	s9 =	ssub.s32 $0x4000, s6;
	s3 =	sand.u32 $0x1, s28  }
0xe: {  	s1 =	sadd.s32 s1, s27;
	s10 =	sand.u32 $0x380, s9;
	s3 =	sadd.s32 s8, s3  }
0xf: {  	s8 =	simm.s32 $0x1;
	p0 =	sne.s32 s10, $0x0;
	s1 =	smul.u32 s1, s3  }
.Ltmp0:
0x10: {  	s9 =	sshrl.u32 s9, $0xA;
	s8 =	simm.s32 @!p0 $0x0;
	(pc) =	sbr.rel .LBB1_1-.Ltmp0, $4  }
0x11: {  	[sflag:s29] =	ssyncpa.u1 $0x0;
	[dreg:$0x3] =	wrdreg s30;
	s8 =	sadd.s32 s8, s9  }
0x12: {  	[dreg:$0x4] =	wrdreg s31;
	s25 =	simm.s32 $0x0;
	s8 =	smul.u32 s8, s1  }
0x13: {  	s21 =	smov.u32 s4;
	s19 =	smov.u32 s5;
	s26 =	simm.s32 $0x0  }
0x14: {  	s18 =	smov.u32 s6;
	p0 =	por $0x0, $0x0;
	s16 =	sadd.s32 $0x1, s8  }
.LBB1_7:
0x15: {  	s0 =	sadd.s32 $0x400, s18  }
0x16: {  	s1 =	sadd.s32 $0x10, s19;
	s3 =	smov.u32 s19;
	p2 =	sgt.s32 s0, $0x3FFF  }
0x17: {  	s3 =	smov.u32 @p2 s1  }
0x18: {  	s9 =	smov.u32 s20;
	s1 =	sadd.s32 $0x10, s20;
	p3 =	sgt.s32 s3, $0xF  }
0x19: {  	s9 =	smov.u32 @p3 s1  }
0x1a: {  	s10 =	smov.u32 s21;
	s1 =	sadd.s32 $0x2, s21;
	p4 =	sgt.s32 s9, $0xF  }
0x1b: {  	p1 =	slt.u32 s22, $0x2;
	s10 =	smov.u32 @p4 s1  }
0x1c: {  	s25 =	smov.u32 s18;
	s0 =	smov.u32 @p2 s6;
	p2 =	sgt.s32 s10, $0x1  }
0x1d: {  	s24 =	smov.u32 s19;
	s10 =	smov.u32 @p2 s4;
	p2 =	sne.s32 s22, s16  }
.Ltmp1:
0x1e: {  	s23 =	smov.u32 s20;
	s26 =	smov.u32 s21;
	(pc) =	sbr.rel @!p2 .LBB1_8-.Ltmp1, $4  }
0x1f: {  	p0 =	por !p0, !p0;
	s18 =	smov.u32 s0;
	s1 =	simm.s32 @!p1 $0x2  }
0x20: {  	s3 =	smov.u32 @p3 s5;
	s9 =	simm.s32 @p4 $0x0;
	_ =	swait.ge @!p1 [sflag:s1], $0x4000  }
0x21: {  	s19 =	smov.u32 s3;
	s20 =	smov.u32 s9;
	[sflag:s1] =	ssyncset.done @!p1 $0x0  }
0x22: {  	s22 =	sadd.s32 $0x1, s22;
	[sflag:s1] =	ssyncadd.s32 @!p1 $0xFFFFC000;
	s21 =	smov.u32 s10  }
.LBB1_1:
0x23: {  	p1 =	sge.u32 s22, s8  }
0x24: {  	s31 =	sadd.s32 $0xFFFFFFFF, s22;
	s0 =	sxor.u32 @!p1 $0xFFFFFFFF, s22;
	s1 =	sand.u32 @!p1 $0x78, s18  }
0x25: {  	s3 =	sshll.u32 @!p1 s19, $0x7;
	s9 =	sshll.u32 @!p1 s19, $0xE;
	s27 =	sshll.u32 @!p1 s18, $0x3  }
0x26: {  	s0 =	sshll.u32 @!p1 s0, $0xE;
	s3 =	sand.u32 @!p1 $0x380, s3;
	s9 =	sand.u32 @!p1 $0x20000, s9  }
0x27: {  	s0 =	sand.u32 @!p1 $0x4000, s0;
	s1 =	sor.u32 @!p1 s3, s1;
	s3 =	sand.u32 @!p1 $0x3C00, s27  }
0x28: {  	s9 =	sadd.s32 @!p1 s9, s27;
	s1 =	sor.u32 @!p1 s3, s1;
	s3 =	sshll.u32 @!p1 s21, $0x13  }
0x29: {  	s27 =	sshll.u32 @!p1 s20, $0xF;
	s9 =	sshrl.u32 @!p1 s9, $0x3;
	s3 =	sadd.s32 @!p1 s2, s3  }
0x2a: {  	s9 =	sand.u32 @!p1 $0x7800, s9;
	s3 =	sadd.s32 @!p1 s27, s3;
	s27 =	sand.u32 @!p1 $0x7, s18  }
0x2b: {  	s1 =	sshrl.u32 @!p1 s1, $0x3;
	s3 =	sadd.s32 @!p1 s9, s3;
	s9 =	sshll.u32 @!p1 s27, $0x12  }
0x2c: {  	s1 =	sadd.s32 @!p1 s1, s3;
	s3 =	sor.u32 @!p1 $0x400, s9;
	s9 =	simm.s32 @!p1 $0x40000  }
0x2d: {  	[tilespmem:s0], [sflag:$0x1] =	stream.strided.gather @!p1 [hbm4b:s1+s3], $0x4000, s9, s3, $0x38;
	[tilespmem:$0x10800] =	vst v63  }
0x2e: {  	p1 =	sge.u32 s31, s8  }
.Ltmp2:
0x2f: {  	_ = 	snop;
	(pc) =	sbr.rel @p1 .LBB1_7-.Ltmp2, $1  }
0x30: {  	_ =	sdelay $0x3  }
0x31: {  	s0 =	simm.s32 $0x1;
	s3 =	sand.u32 $0x1, s22  }
0x32: {  	s0 =	simm.s32 @!p0 $0x0;
	s3 =	smul.u32 $0x11000, s3  }
0x33: {  	_ =	swait.ge [sflag:s7], $0x4000;
	s1 =	smul.u32 $0x11000, s0  }
0x34: {  	s31 =	simm.s32 $0x0;
	[sflag:s7] =	ssyncset.done $0x0;
	s0 =	sshll.u32 s0, $0xE  }
0x35: {  	[sflag:s7] =	ssyncadd.s32 $0xFFFFC000;
	s27 =	sshrl.u32 s3, $0x2;
	s1 =	sshrl.u32 s1, $0x2  }
0x36: {  	s30 =	sor.u32 $0x40, s0;
	s28 =	sor.u32 $0x8000, s27;
	s29 =	sor.u32 $0x8000, s1  }
.LBB1_3:
0x37: {  	v0 =	vld [tilespmem:s30+$0x30]  }
0x38: {  	v1 =	vld [tilespmem:s30+$0xFFFFFFD0]  }
0x39: {  	v5 =	vld [tilespmem:s30+$0xFFFFFFE0]  }
0x3a: {  	v6 =	vld [tilespmem:s30+$0xFFFFFFF0]  }
0x3b: {  	s0 =	sadd.s32 $0x0, s29;
	v2 =	vld [tilespmem:s30+$0x0]  }
0x3c: {  	v3 =	vld [tilespmem:s30+$0x10];
	[tilespmem:s0+$0x770 ss:$0x11] =	vst.msk $0xffff, v0  }
0x3d: {  	v4 =	vld [tilespmem:s30+$0x20];
	[tilespmem:s0+$0x110 ss:$0x11] =	vst.msk $0xffff, v1  }
0x3e: {  	s1 =	sadd.s32 $0x80, s30;
	v0 =	vld [tilespmem:s30+$0xFFFFFFC0];
	[tilespmem:s0+$0x220 ss:$0x11] =	vst.msk $0xffff, v5  }
0x3f: {  	s3 =	simm.s32 $0x2200;
	s9 =	simm.s32 $0x4400;
	v1 =	vld [tilespmem:s1+$0x30];
	[tilespmem:s0+$0x330 ss:$0x11] =	vst.msk $0xffff, v6  }
.LBB1_4:
0x40: {  	p1 =	sne.s32 s9, $0xEE00;
	v5 =	vld [tilespmem:s1+$0xFFFFFFD0];
	[tilespmem:s0+$0x440 ss:$0x11] =	vst.msk $0xffff, v2  }
0x41: {  	v6 =	vld [tilespmem:s1+$0xFFFFFFE0];
	[tilespmem:s0+$0x550 ss:$0x11] =	vst.msk $0xffff, v3  }
0x42: {  	s10 =	sshra.s32 s3, $0x2;
	s3 =	smov.u32 s9;
	v7 =	vld [tilespmem:s1+$0xFFFFFFF0];
	[tilespmem:s0+$0x660 ss:$0x11] =	vst.msk $0xffff, v4  }
.Ltmp3:
0x43: {  	v2 =	vld [tilespmem:s1+$0x0];
	[tilespmem:s0+$0x0 ss:$0x11] =	vst.msk $0xffff, v0;
	s0 =	sadd.s32 s10, s29;
	(pc) =	sbr.rel @p1 .LBB1_4-.Ltmp3, $4  }
0x44: {  	v3 =	vld [tilespmem:s1+$0x10];
	[tilespmem:s0+$0x770 ss:$0x11] =	vst.msk $0xffff, v1  }
0x45: {  	[tilespmem:s0+$0x110 ss:$0x11] =	vst.msk $0xffff, v5;
	v4 =	vld [tilespmem:s1+$0x20]  }
0x46: {  	v0 =	vld [tilespmem:s1+$0xFFFFFFC0];
	[tilespmem:s0+$0x220 ss:$0x11] =	vst.msk $0xffff, v6;
	s1 =	sadd.s32 $0x80, s1  }
0x47: {  	s9 =	sadd.s32 $0x2200, s9;
	v1 =	vld [tilespmem:s1+$0x30];
	[tilespmem:s0+$0x330 ss:$0x11] =	vst.msk $0xffff, v7  }
0x48: {  	v5 =	vld [tilespmem:s1+$0xFFFFFFD0];
	[tilespmem:s0+$0x440 ss:$0x11] =	vst.msk $0xffff, v2  }
0x49: {  	v58 =	vld [tilespmem:s1+$0xFFFFFFE0];
	[tilespmem:s0+$0x550 ss:$0x11] =	vst.msk $0xffff, v3  }
0x4a: {  	s3 =	sshra.s32 s3, $0x2;
	v59 =	vld [tilespmem:s1+$0xFFFFFFF0];
	[tilespmem:s0+$0x660 ss:$0x11] =	vst.msk $0xffff, v4  }
0x4b: {  	v60 =	vld [tilespmem:s1+$0x0];
	s3 =	sadd.s32 s3, s29;
	[tilespmem:s0+$0x0 ss:$0x11] =	vst.msk $0xffff, v0  }
0x4c: {  	v61 =	vld [tilespmem:s1+$0x10];
	[tilespmem:s3+$0x770 ss:$0x11] =	vst.msk $0xffff, v1  }
0x4d: {  	v62 =	vld [tilespmem:s1+$0x20];
	s31 =	sadd.s32 $0x1, s31;
	[tilespmem:s3+$0x110 ss:$0x11] =	vst.msk $0xffff, v5  }
0x4e: {  	v63 =	vld [tilespmem:s1+$0xFFFFFFC0];
	p1 =	sne.s32 s31, $0x10;
	[tilespmem:s3+$0x220 ss:$0x11] =	vst.msk $0xffff, v58  }
.Ltmp4:
0x4f: {  	[tilespmem:s3+$0x330 ss:$0x11] =	vst.msk $0xffff, v59;
	(pc) =	sbr.rel @p1 .LBB1_3-.Ltmp4, $4  }
0x50: {  	[tilespmem:s3+$0x440 ss:$0x11] =	vst.msk $0xffff, v60  }
0x51: {  	[tilespmem:s3+$0x550 ss:$0x11] =	vst.msk $0xffff, v61  }
0x52: {  	[tilespmem:s3+$0x660 ss:$0x11] =	vst.msk $0xffff, v62  }
0x53: {  	s30 =	sadd.s32 $0x400, s30;
	s29 =	sadd.s32 $0x1, s29;
	[tilespmem:s3+$0x0 ss:$0x11] =	vst.msk $0xffff, v63  }
0x54: {  	s0 =	sshll.u32 s25, $0x7;
	s1 =	sshll.u32 s23, $0x3  }
0x55: {  	s3 =	sand.u32 $0x1FFC00, s0;
	s1 =	sand.u32 $0x1FFC00, s1  }
0x56: {  	s9 =	sshrl.u32 s23, $0x3;
	s0 =	sand.u32 $0x380, s0;
	s1 =	sadd.s32 s1, s3  }
0x57: {  	s3 =	sshll.u32 s24, $0x12;
	s0 =	sor.u32 s0, s1;
	s1 =	sshll.u32 s26, $0x16  }
0x58: {  	s31 =	rddreg [dreg:$0x2];
	s9 =	sand.u32 $0xF, s9;
	s10 =	sadd.s32 s1, s3  }
0x59: {  	s24 =	sand.u32 $0x7, s23;
	s0 =	sshrl.u32 s0, $0x3;
	s10 =	sadd.s32 s31, s10  }
0x5a: {  	s23 =	sshll.u32 s24, $0x12;
	s0 =	sand.u32 $0x3FFF0, s0;
	s10 =	sadd.s32 s9, s10  }
0x5b: {  	s25 =	rddreg [dreg:$0x3];
	s23 =	sor.u32 $0x10, s23;
	s10 =	sadd.s32 s0, s10  }
0x5c: {  	[hbm4b:s10+s23] =	stream.strided.scatter [tilespmem:s28], [sflag:$0x2], $0x800, s17, s23, $0x8;
	[tilespmem:$0x10800] =	vst v63  }
0x5d: {  	s10 =	sadd.s32 s1, s25  }
0x5e: {  	s10 =	sadd.s32 s3, s10  }
0x5f: {  	s10 =	sadd.s32 s9, s10  }
0x60: {  	s26 =	sadd.s32 $0x8880, s27;
	s28 =	rddreg [dreg:$0x4];
	s10 =	sadd.s32 s0, s10  }
0x61: {  	[hbm4b:s10+s23] =	stream.strided.scatter [tilespmem:s26], [sflag:$0x2], $0x800, s17, s23, $0x8;
	[tilespmem:$0x10800] =	vst v63  }
0x62: {  	s10 =	sadd.s32 s1, s28  }
0x63: {  	s10 =	sadd.s32 s3, s10  }
0x64: {  	s10 =	sadd.s32 s9, s10  }
0x65: {  	s29 =	sadd.s32 $0x9100, s27;
	s30 =	sadd.s32 s1, s11;
	s10 =	sadd.s32 s0, s10  }
0x66: {  	[hbm4b:s10+s23] =	stream.strided.scatter [tilespmem:s29], [sflag:$0x2], $0x800, s17, s23, $0x8;
	[tilespmem:$0x10800] =	vst v63  }
0x67: {  	s10 =	sadd.s32 s3, s30  }
0x68: {  	s10 =	sadd.s32 s9, s10  }
0x69: {  	s24 =	sadd.s32 s1, s12;
	s31 =	sadd.s32 $0x9980, s27;
	s10 =	sadd.s32 s0, s10  }
0x6a: {  	[hbm4b:s10+s23] =	stream.strided.scatter [tilespmem:s31], [sflag:$0x2], $0x800, s17, s23, $0x8;
	[tilespmem:$0x10800] =	vst v63  }
0x6b: {  	s10 =	sadd.s32 s3, s24  }
0x6c: {  	s10 =	sadd.s32 s9, s10  }
0x6d: {  	s25 =	sadd.s32 $0xA200, s27;
	s26 =	sadd.s32 s1, s13;
	s10 =	sadd.s32 s0, s10  }
0x6e: {  	[hbm4b:s10+s23] =	stream.strided.scatter [tilespmem:s25], [sflag:$0x2], $0x800, s17, s23, $0x8;
	[tilespmem:$0x10800] =	vst v63  }
0x6f: {  	s10 =	sadd.s32 s3, s26  }
0x70: {  	s10 =	sadd.s32 s9, s10  }
0x71: {  	s28 =	sadd.s32 $0xAA80, s27;
	s29 =	sadd.s32 s1, s14;
	s10 =	sadd.s32 s0, s10  }
0x72: {  	[hbm4b:s10+s23] =	stream.strided.scatter [tilespmem:s28], [sflag:$0x2], $0x800, s17, s23, $0x8;
	[tilespmem:$0x10800] =	vst v63  }
0x73: {  	s1 =	sadd.s32 s1, s15;
	s10 =	sadd.s32 s3, s29  }
.Ltmp5:
0x74: {  	s1 =	sadd.s32 s3, s1;
	s10 =	sadd.s32 s9, s10;
	(pc) =	sbr.rel .LBB1_7-.Ltmp5, $4  }
0x75: {  	s30 =	sadd.s32 $0xB300, s27;
	s1 =	sadd.s32 s9, s1;
	s10 =	sadd.s32 s0, s10  }
0x76: {  	[hbm4b:s10+s23] =	stream.strided.scatter [tilespmem:s30], [sflag:$0x2], $0x800, s17, s23, $0x8;
	[tilespmem:$0x10800] =	vst v63  }
0x77: {  	s31 =	sadd.s32 $0xBB80, s27;
	s0 =	sadd.s32 s0, s1  }
0x78: {  	[hbm4b:s0+s23] =	stream.strided.scatter [tilespmem:s31], [sflag:$0x2], $0x800, s17, s23, $0x8;
	[tilespmem:$0x10800] =	vst v63  }
.LBB1_8:
0x79: {  	_ =	sfence.sel $0x180000  }
0x7a: {  	s0 =	simm.s32 $0x1;
	[bflag:$0x0] =	sbarrier.arrive $0xFFFF  }
0x7b: {  	s30 =	simm.s32 $0x2;
	[sflag:s0] =	ssyncpa.u1 $0x1  }
0x7c: {  	[sflag:s30] =	ssyncpa.u1 $0x1  }
0x7d: {  	_ =	strace $0x9000004D  }
0x7e: {  	s31 =	stileid.u32;
	[bflag:$0x2] =	sbarrier.arrive $0xFFFF  }
0x7f: {  	p0 =	sne.s32 s31, $0x0;
	s0 =	rddreg [dreg:$0x1]  }
0x80: {  	s0 =	sadd.s32 @!p0 $0x100000, s0  }
0x81: {  	[sflag:s0] =	ssyncadd.tile.s32 @!p0 $0x1;
	_ =	shalt  }
.Lfunc_end1:
_tile_overlayer_lowered:
.L_overlay_start_2:
0x82: {  	(tag) =	ssettag $0x2  }
0x83: {  	s0 =	rddreg [dreg:$0x0];
	s2 =	stileid.u32  }
0x84: {  	s1 =	rddreg [dreg:$0x1];
	p0 =	sne.s32 s2, $0x0  }
0x85: {  	s3 =	rddreg [dreg:$0x2];
	[bflag:$0x3] =	sbarrier.arrive $0xFFFF;
	s2 =	simm.s32 @!p0 $0x1C01  }
0x86: {  	[timem:s3], [sflag:s2] =	dma.local @!p0 [hbm:s0], s1  }
0x87: {  	s0 =	simm.s32 @!p0 $0x1  }
0x88: {  	_ =	swait.ge @!p0 [sflag:s0], s1  }
0x89: {  	s1 =	ssub.s32 @!p0 $0x0, s1;
	[sflag:s0] =	ssyncset.done @!p0 $0x0  }
0x8a: {  	[sflag:s0] =	ssyncadd.s32 @!p0 s1  }
0x8b: {  	[bflag:$0x3] =	sbarrier.arrive $0xFFFF  }
0x8c: {  	_ =	shalt  }

</sc_bundles>
